<compile_context>
chip_gen: v7x
topology: tpu7x:2x2x1
jax: 0.10.2.dev20260603
libtpu: 0.0.44.dev20260713+nightly
codegen_flags: <defaults>
</compile_context>

<pallas_src>
import functools

import jax
import jax.numpy as jnp
from jax import lax
from jax.experimental import pallas as pl
from jax.experimental.pallas import tpu as pltpu
from jax.experimental.pallas import tpu_sc as plsc

_THRESH = 0.8
_SCALE = 0.1
_NEG = float("-inf")


def _top5_body(x_ref, vals_ref, idx_ref, *, n):
    x = x_ref[...]
    col = lax.broadcasted_iota(jnp.int32, x.shape, 1)
    x = jnp.where(col < n, x, _NEG)
    work = x
    vals, idxs = [], []
    for _ in range(5):
        m = jnp.max(work, axis=1, keepdims=True)
        i = jnp.min(jnp.where(work == m, col, n), axis=1, keepdims=True)
        vals.append(m)
        idxs.append(i)
        work = jnp.where(col == i, _NEG, work)
    m0 = vals[0]
    sumexp = jnp.sum(jnp.exp(x - m0), axis=1, keepdims=True)
    v = jnp.concatenate(vals, axis=1)
    vals_ref[...] = jnp.exp(v - m0) / sumexp
    idx_ref[...] = jnp.concatenate(idxs, axis=1)


def _compo_body(logit_ref, co_ref, out_ref):
    cs = jax.nn.sigmoid(logit_ref[...])
    sel = jnp.where(cs > _THRESH, cs, 0.0)
    adj = lax.dot_general(
        sel, co_ref[...], (((1,), (0,)), ((), ())),
        precision=lax.Precision.HIGHEST,
        preferred_element_type=jnp.float32,
    )
    out_ref[...] = cs + adj * _SCALE


def _sc_select(scores, mat):
    b, c = scores.shape
    n = mat.shape[1]
    nw = 32
    spw = b // nw
    nchunk = n // 16
    cchunk = c // 16
    mesh = plsc.VectorSubcoreMesh(core_axis_name="c", subcore_axis_name="s")

    @functools.partial(
        pl.kernel,
        out_type=[jax.ShapeDtypeStruct((b, 16), jnp.int32),
                  jax.ShapeDtypeStruct((b, 16), jnp.float32)],
        mesh=mesh,
        scratch_types=[
            pltpu.VMEM((1, c), jnp.float32),
            pltpu.VMEM((1, n), jnp.int32),
            pltpu.VMEM((1, n), jnp.int32),
            pltpu.VMEM((n + 16,), jnp.int32),
            pltpu.VMEM((n + 16,), jnp.int32),
            pltpu.VMEM((1, 16), jnp.int32),
            pltpu.VMEM((1, 16), jnp.float32),
            pltpu.SemaphoreType.DMA,
            pltpu.SemaphoreType.DMA,
        ],
        compiler_params=pltpu.CompilerParams(needs_layout_passes=False),
    )
    def sel(scores_hbm, mat_hbm, idx_hbm, sco_hbm,
            w_ref, rowa_ref, rowb_ref, lcur_ref, lprev_ref, hv_ref, sv_ref,
            sem1, sem2):
        wid = lax.axis_index("s") * 2 + lax.axis_index("c")
        lanes = lax.iota(jnp.int32, 16)
        neg = jnp.full((16,), _NEG, jnp.float32)
        zi = jnp.zeros((16,), jnp.int32)
        onei = jnp.full((16,), 1, jnp.int32)

        def sample_body(s_i, _):
            bidx = wid * spw + s_i
            pltpu.sync_copy(scores_hbm.at[pl.ds(bidx, 1)], w_ref)

            def spass(k, carry):
                bestv, besti, csel = carry
                v = w_ref[0, pl.ds(k * 16, 16)]
                idxv = lanes + k * 16
                upd = v > bestv
                bestv = jnp.where(upd, v, bestv)
                besti = jnp.where(upd, idxv, besti)
                csel = csel + jnp.where(v > _THRESH, onei, zi)
                w_ref[0, pl.ds(k * 16, 16)] = jnp.where(v > _THRESH, v, neg)
                return bestv, besti, csel

            bestv, besti, csel = lax.fori_loop(0, cchunk, spass, (neg, zi, zi))
            gmax = jnp.max(bestv)
            max_idx = jnp.min(jnp.where(bestv == gmax, besti, c))
            num_sel = jnp.sum(csel)
            s0 = jnp.where(gmax > _THRESH, gmax, _NEG)

            ch0 = (max_idx // 16) * 16
            l0 = max_idx % 16
            v0 = w_ref[0, pl.ds(ch0, 16)]
            w_ref[0, pl.ds(ch0, 16)] = jnp.where(lanes == l0, neg, v0)
            dma0 = pltpu.async_copy(mat_hbm.at[pl.ds(max_idx, 1)], rowa_ref, sem1)

            def apass(k, c2):
                bv, bi = c2
                v = w_ref[0, pl.ds(k * 16, 16)]
                idxv = lanes + k * 16
                upd = v > bv
                return jnp.where(upd, v, bv), jnp.where(upd, idxv, bi)

            bv1, bi1 = lax.fori_loop(0, cchunk, apass, (neg, zi))
            v1 = jnp.max(bv1)
            o1 = jnp.min(jnp.where(bv1 == v1, bi1, c))
            ch1 = (o1 // 16) * 16
            l1 = o1 % 16
            vv1 = w_ref[0, pl.ds(ch1, 16)]
            w_ref[0, pl.ds(ch1, 16)] = jnp.where(lanes == l1, neg, vv1)
            dma1 = pltpu.async_copy(mat_hbm.at[pl.ds(o1, 1)], rowb_ref, sem2)
            dma0.wait()

            def epass(k, off):
                v = rowa_ref[0, pl.ds(k * 16, 16)]
                m = v == 1
                idxv = lanes + k * 16
                plsc.store_compressed(lcur_ref.at[pl.ds(off, 16)], idxv, mask=m)
                pc = plsc.all_reduce_population_count(m)
                return off + jnp.max(pc)

            cnt0 = lax.fori_loop(0, nchunk, epass, jnp.int32(0))

            def gather_round(cnt):
                def gpass(j, off):
                    pos = lcur_ref[pl.ds(j * 16, 16)]
                    lprev_ref[pl.ds(j * 16, 16)] = pos
                    valid = (lanes + j * 16) < cnt
                    pos_s = jnp.where(valid, pos, zi)
                    vals = plsc.load_gather(rowb_ref, [zi, pos_s], mask=valid)
                    m = valid & (vals == 1)
                    plsc.store_compressed(lcur_ref.at[pl.ds(off, 16)], pos_s,
                                          mask=m)
                    pc = plsc.all_reduce_population_count(m)
                    return off + jnp.max(pc)

                nch = (cnt + 15) // 16
                return lax.fori_loop(0, nch, gpass, jnp.int32(0))

            def wcond(carry):
                i, cnt, _cp, _vl, _vp, _f = carry
                return (i < num_sel) & (cnt > 1)

            def wbody(carry):
                i, cnt, _cp, vl, _vp, first = carry

                def later_round(_):
                    bv, bi = lax.fori_loop(0, cchunk, apass, (neg, zi))
                    v = jnp.max(bv)
                    o = jnp.min(jnp.where(bv == v, bi, c))
                    cho = (o // 16) * 16
                    lo = o % 16
                    vv = w_ref[0, pl.ds(cho, 16)]
                    w_ref[0, pl.ds(cho, 16)] = jnp.where(lanes == lo, neg, vv)
                    pltpu.async_copy(mat_hbm.at[pl.ds(o, 1)], rowb_ref,
                                     sem2).wait()
                    return v

                def first_round(_):
                    dma1.wait()
                    return v1

                v = lax.cond(first, first_round, later_round, 0)
                cnt_new = gather_round(cnt)
                return (i + jnp.int32(1), cnt_new, cnt, v, vl,
                        jnp.bool_(False))

            i, cnt, cntp, v_last, v_prev, first = lax.while_loop(
                wcond, wbody,
                (jnp.int32(1), cnt0, cnt0, s0, s0, jnp.bool_(True)))

            @pl.when(first)
            def _():
                dma1.wait()

            bt = cnt == 0
            btv = jnp.full((16,), bt)
            i_f = jnp.where(bt, i - 1, i)
            n_idx = jnp.where(bt, cntp, cnt)
            val = jnp.where(bt, v_prev, v_last)
            hit_score = jnp.where(i_f == 1, gmax, val)

            lsrc = jnp.where(btv, lprev_ref[pl.ds(0, 16)],
                             lcur_ref[pl.ds(0, 16)])
            out5 = jnp.where((lanes < 5) & (lanes < n_idx), lsrc, jnp.int32(-1))
            hv_ref[0, pl.ds(0, 16)] = out5
            sv_ref[0, pl.ds(0, 16)] = jnp.full((16,), hit_score, jnp.float32)
            pltpu.sync_copy(hv_ref, idx_hbm.at[pl.ds(bidx, 1)])
            pltpu.sync_copy(sv_ref, sco_hbm.at[pl.ds(bidx, 1)])
            return 0

        lax.fori_loop(0, spw, sample_body, 0)

    return sel(scores, mat)


def kernel(pred_class_logits, pred_compo_logits,
           compo_co_occurrence_prob, compo_chinese_matrix):
    b, n_chars = pred_class_logits.shape
    n_compo = pred_compo_logits.shape[1]
    rb = 8

    scores = pl.pallas_call(
        _compo_body,
        out_shape=jax.ShapeDtypeStruct((b, n_compo), jnp.float32),
    )(pred_compo_logits, compo_co_occurrence_prob)

    idx_o, sco_o = _sc_select(scores, compo_chinese_matrix)

    class_scores, class_indices = pl.pallas_call(
        functools.partial(_top5_body, n=n_chars),
        grid=(b // rb,),
        in_specs=[pl.BlockSpec((rb, n_chars), lambda i: (i, 0))],
        out_specs=[pl.BlockSpec((rb, 5), lambda i: (i, 0)),
                   pl.BlockSpec((rb, 5), lambda i: (i, 0))],
        out_shape=[jax.ShapeDtypeStruct((b, 5), jnp.float32),
                   jax.ShapeDtypeStruct((b, 5), jnp.int32)],
    )(pred_class_logits)

    hit_idx = idx_o[:, :5]
    hit_scores = sco_o[:, 0]
    num_compo_hit = jnp.sum((hit_idx != -1).astype(jnp.int32), axis=1)
    c0 = class_indices[:, 0].astype(jnp.int32)
    combined_pred1 = jnp.where(num_compo_hit == 1, hit_idx[:, 0], c0)
    combined_pred2 = jnp.where(
        (class_scores[:, 0] < 0.85) & (num_compo_hit == 1), hit_idx[:, 0], c0)
    return (class_indices, class_scores, hit_idx, hit_scores,
            combined_pred1, combined_pred2)

# --- scband reference (transcript-rebuilt; emitter-appended) ---
"""Pipeline reference for scband-generate-prediction-68384469287513 (READ-ONLY COPY).

The authoritative reference and input builder live on the scoring server;
editing this copy changes nothing except your own understanding.
"""

import jax, jax.numpy as jnp
from jax import lax
import numpy as np

B, NUM_CHARS, NUM_COMPO = 128, 20000, 1024
THRESH = 0.8
SCALE = 0.1


def setup_inputs(seed: int = 0) -> dict:
    key = jax.random.key(seed)
    k1, k2, k3, k4 = jax.random.split(key, 4)
    return {
        "pred_class_logits": jax.random.normal(k1, (B, NUM_CHARS), dtype=jnp.float32),
        "pred_compo_logits": jax.random.normal(k2, (B, NUM_COMPO), dtype=jnp.float32),
        "compo_co_occurrence_prob": jax.random.uniform(k3, (NUM_COMPO, NUM_COMPO), dtype=jnp.float32),
        "compo_chinese_matrix": jax.random.bernoulli(k4, 0.003, (NUM_COMPO, NUM_CHARS)).astype(jnp.int32),
    }


def _components_to_char(compo_scores, co_prob, matrix):
    C = compo_scores.shape[0]
    # score adjustment from co-occurrence of selected components
    mask = compo_scores > THRESH
    sel = jnp.where(mask, compo_scores, 0.0)
    adjusted = jnp.sum(co_prob * sel[:, None], axis=0) * SCALE
    scores = compo_scores + adjusted
    max_idx = jnp.argmax(scores)
    max_score = scores[max_idx]
    # re-select and sort descending (masked, fixed-shape)
    mask2 = scores > THRESH
    num_selected = jnp.sum(mask2.astype(jnp.int32))
    masked = jnp.where(mask2, scores, -jnp.inf)
    order = jnp.argsort(-masked)  # selected components, descending score; unselected last
    sorted_scores = masked[order]
    hit0 = matrix[max_idx]

    def body(_, carry):
        i, hit, prev = carry
        cond = (i < num_selected) & (jnp.sum(hit) > 1)
        compo_chars = matrix[order[i]]
        new_hit = jnp.where(hit + compo_chars == 2, 1, 0)
        i_n = jnp.where(cond, i + 1, i)
        hit_n = jnp.where(cond, new_hit, hit)
        prev_n = jnp.where(cond, hit, prev)
        return (i_n, hit_n, prev_n)

    i, hit, prev = lax.fori_loop(0, C, body, (jnp.int32(1), hit0, hit0))
    num_hit = jnp.sum(hit)
    i = jnp.where(num_hit == 0, i - 1, i)
    hit = jnp.where(num_hit == 0, prev, hit)
    # min of first i descending-sorted scores == element i-1
    hit_score = jnp.where(i == 1, max_score, sorted_scores[jnp.maximum(i - 1, 0)])
    ones_first = jnp.argsort(-hit)  # stable: ascending char indices among hits first
    n_idx = jnp.sum(hit)
    hit5 = jnp.where(jnp.arange(5) < n_idx, ones_first[:5], -1).astype(jnp.int32)
    return hit5, hit_score


def reference(pred_class_logits, pred_compo_logits, compo_co_occurrence_prob, compo_chinese_matrix):
    class_probs = jax.nn.softmax(pred_class_logits, axis=1)
    compo_scores = jax.nn.sigmoid(pred_compo_logits)
    class_scores, class_indices = lax.top_k(class_probs, 5)
    hit_idx, hit_scores = jax.vmap(
        lambda s: _components_to_char(s, compo_co_occurrence_prob, compo_chinese_matrix)
    )(compo_scores)
    num_compo_hit = jnp.sum((hit_idx != -1).astype(jnp.int32), axis=1)
    c0 = class_indices[:, 0].astype(jnp.int32)
    combined_pred1 = jnp.where(num_compo_hit == 1, hit_idx[:, 0], c0)
    combined_pred2 = jnp.where((class_scores[:, 0] < 0.85) & (num_compo_hit == 1), hit_idx[:, 0], c0)
    return (class_indices, class_scores, hit_idx, hit_scores, combined_pred1, combined_pred2)

if __name__ == "__main__":
    import jax
    _d = setup_inputs()
    print(jax.jit(kernel)(*tuple(_d.values())))

</pallas_src>

<mosaic_0001>
#map = affine_map<(d0, d1) -> (0, 0)>
module attributes {stable_mosaic.version = 14 : i64} {
  func.func @sel(%arg0: i32, %arg1: i32, %arg2: memref<128x1024xf32, #tpu.memory_space<hbm>>, %arg3: memref<1024x20000xi32, #tpu.memory_space<hbm>>, %arg4: memref<128x16xi32, #tpu.memory_space<hbm>>, %arg5: memref<128x16xf32, #tpu.memory_space<hbm>>, %arg6: memref<1x1024xf32, #tpu.memory_space<vmem>>, %arg7: memref<1x20000xi32, #tpu.memory_space<vmem>>, %arg8: memref<1x20000xi32, #tpu.memory_space<vmem>>, %arg9: memref<20016xi32, #tpu.memory_space<vmem>>, %arg10: memref<20016xi32, #tpu.memory_space<vmem>>, %arg11: memref<1x16xi32, #tpu.memory_space<vmem>>, %arg12: memref<1x16xf32, #tpu.memory_space<vmem>>, %arg13: memref<!tpu.dma_semaphore, #tpu.memory_space<semaphore_mem>>, %arg14: memref<!tpu.dma_semaphore, #tpu.memory_space<semaphore_mem>>) attributes {dimension_semantics = [#tpu.dimension_semantics<core_parallel>, #tpu.dimension_semantics<subcore_parallel>], iteration_bounds = array<i64: 2, 16>, scalar_prefetch = 0 : i64, scratch_operands = 9 : i64, tpu.core_type = #tpu.core_type<sc_vector_subcore>, window_params = [{transform_indices = #map}, {transform_indices = #map}, {transform_indices = #map}, {transform_indices = #map}]} {
    %mul3A = arith.constant 2 : i32
    %mul3A_0 = arith.muli %arg1, %mul3A : i32
    %add3A = arith.addi %mul3A_0, %arg0 : i32
    %iota3A = tpu.iota {dimensions = array<i32: 0>} : vector<16xi32>
    %broadcast_in_dim3A = arith.constant 0xFF800000 : f32
    %broadcast_in_dim3A_1 = vector.broadcast %broadcast_in_dim3A : f32 to vector<16xf32>
    %broadcast_in_dim3A_2 = arith.constant 0 : i32
    %broadcast_in_dim3A_3 = vector.broadcast %broadcast_in_dim3A_2 : i32 to vector<16xi32>
    %broadcast_in_dim3A_4 = arith.constant 1 : i32
    %broadcast_in_dim3A_5 = vector.broadcast %broadcast_in_dim3A_4 : i32 to vector<16xi32>
    %scan3A = arith.constant 0 : i32
    %scan3A_6 = arith.constant 0 : i32
    %scan3A_7 = arith.constant 4 : i32
    %scan3A_8 = arith.addi %scan3A_6, %scan3A_7 : i32
    %scan3A_9 = arith.constant 1 : i32
    %scan3A_10 = scf.for %scan3A_12 = %scan3A_6 to %scan3A_8 step %scan3A_9 iter_args(%scan3A_13 = %scan3A) -> (i32)  : i32 {
      %mul3A_14 = arith.constant 4 : i32
      %mul3A_15 = arith.muli %add3A, %mul3A_14 : i32
      %add3A_16 = arith.addi %mul3A_15, %scan3A_12 : i32
      "tpu.region"() ({
        %run_scoped3A = tpu.sem_alloc : memref<!tpu.dma_semaphore, #tpu.memory_space<semaphore_mem>>
        %dma_start3A_216 = arith.constant 0 : i32
        %dma_start3A_217 = tpu.memref_slice %arg2[%add3A_16, %dma_start3A_216] : memref<128x1024xf32, #tpu.memory_space<hbm>> -> memref<1x1024xf32, #tpu.memory_space<hbm>>
        %dma_start3A_218 = arith.constant 0 : i32
        %dma_start3A_219 = tpu.memref_slice %arg2[%add3A_16, %dma_start3A_218] : memref<128x1024xf32, #tpu.memory_space<hbm>> -> memref<1x1024xf32, #tpu.memory_space<hbm>>
        tpu.enqueue_dma source(%dma_start3A_219 : memref<1x1024xf32, #tpu.memory_space<hbm>>) target(%arg6 : memref<1x1024xf32, #tpu.memory_space<vmem>>) target_semaphore(%run_scoped3A : memref<!tpu.dma_semaphore, #tpu.memory_space<semaphore_mem>>)
        %dma_wait3A_220 = arith.constant 0 : i32
        %dma_wait3A_221 = tpu.memref_slice %arg2[%add3A_16, %dma_wait3A_220] : memref<128x1024xf32, #tpu.memory_space<hbm>> -> memref<1x1024xf32, #tpu.memory_space<hbm>>
        %dma_wait3A_222 = arith.constant 0 : i32
        %dma_wait3A_223 = tpu.memref_slice %arg2[%add3A_16, %dma_wait3A_222] : memref<128x1024xf32, #tpu.memory_space<hbm>> -> memref<1x1024xf32, #tpu.memory_space<hbm>>
        tpu.wait_dma2 semaphore(%run_scoped3A : memref<!tpu.dma_semaphore, #tpu.memory_space<semaphore_mem>>) src(%dma_wait3A_223 : memref<1x1024xf32, #tpu.memory_space<hbm>>) dst(%arg6 : memref<1x1024xf32, #tpu.memory_space<vmem>>)
        tpu.yield
      }) : () -> ()
      %scan3A_17 = arith.constant 0 : i32
      %scan3A_18 = arith.constant 64 : i32
      %scan3A_19 = arith.addi %scan3A_17, %scan3A_18 : i32
      %scan3A_20 = arith.constant 1 : i32
      %scan3A_21:3 = scf.for %scan3A_216 = %scan3A_17 to %scan3A_19 step %scan3A_20 iter_args(%scan3A_217 = %broadcast_in_dim3A_1, %scan3A_218 = %broadcast_in_dim3A_3, %scan3A_219 = %broadcast_in_dim3A_3) -> (vector<16xf32>, vector<16xi32>, vector<16xi32>)  : i32 {
        %mul3A_220 = arith.constant 16 : i32
        %mul3A_221 = arith.muli %scan3A_216, %mul3A_220 : i32
        %get3A_222 = arith.constant 0 : i32
        %get3A_223 = arith.index_cast %get3A_222 : i32 to index
        %get3A_224 = arith.index_cast %mul3A_221 : i32 to index
        %get3A_225 = tpu.vector_load %arg6[%get3A_223, %get3A_224] {strides = array<i32>} : memref<1x1024xf32, #tpu.memory_space<vmem>>, vector<16xf32>,
        %mul3A_226 = arith.constant 16 : i32
        %mul3A_227 = arith.muli %scan3A_216, %mul3A_226 : i32
        %add3A_228 = vector.broadcast %mul3A_227 : i32 to vector<16xi32>
        %add3A_229 = arith.addi %iota3A, %add3A_228 : vector<16xi32>
        %gt3A_230 = arith.cmpf ogt, %get3A_225, %scan3A_217 : vector<16xf32>
        %select_n3A_231 = arith.select %gt3A_230, %get3A_225, %scan3A_217 : vector<16xi1>, vector<16xf32>
        %select_n3A_232 = arith.select %gt3A_230, %add3A_229, %scan3A_218 : vector<16xi1>, vector<16xi32>
        %gt3A_233 = arith.constant 8.000000e-01 : f32
        %gt3A_234 = vector.broadcast %gt3A_233 : f32 to vector<16xf32>
        %gt3A_235 = arith.cmpf ogt, %get3A_225, %gt3A_234 : vector<16xf32>
        %select_n3A_236 = arith.select %gt3A_235, %broadcast_in_dim3A_5, %broadcast_in_dim3A_3 : vector<16xi1>, vector<16xi32>
        %add3A_237 = arith.addi %scan3A_219, %select_n3A_236 : vector<16xi32>
        %gt3A_238 = arith.constant 8.000000e-01 : f32
        %gt3A_239 = vector.broadcast %gt3A_238 : f32 to vector<16xf32>
        %gt3A_240 = arith.cmpf ogt, %get3A_225, %gt3A_239 : vector<16xf32>
        %select_n3A_241 = arith.select %gt3A_240, %get3A_225, %broadcast_in_dim3A_1 : vector<16xi1>, vector<16xf32>
        %mul3A_242 = arith.constant 16 : i32
        %mul3A_243 = arith.muli %scan3A_216, %mul3A_242 : i32
        %swap3A_244 = arith.constant 0 : i32
        %swap3A_245 = arith.index_cast %swap3A_244 : i32 to index
        %swap3A_246 = arith.index_cast %mul3A_243 : i32 to index
        %swap3A_247 = tpu.vector_load %arg6[%swap3A_245, %swap3A_246] {strides = array<i32>} : memref<1x1024xf32, #tpu.memory_space<vmem>>, vector<16xf32>,
        tpu.vector_store %arg6[%swap3A_245, %swap3A_246], %select_n3A_241 {strides = array<i32>} : memref<1x1024xf32, #tpu.memory_space<vmem>>, vector<16xf32>,
        scf.yield %select_n3A_231, %select_n3A_232, %add3A_237 : vector<16xf32>, vector<16xi32>, vector<16xi32>
      }
      %scan3A_22 = arith.constant 64 : i32
      %reduce_max3A = arith.constant true
      %reduce_max3A_23 = vector.broadcast %reduce_max3A : i1 to vector<16xi1>
      %reduce_max3A_24 = tpu.scan <max>, %scan3A_21#0 masked %reduce_max3A_23 : vector<16xf32>, vector<16xi1> -> vector<16xf32>
      %reduce_max3A_25 = vector.extract %reduce_max3A_24[15] : f32 from vector<16xf32>
      %eq3A = vector.broadcast %reduce_max3A_25 : f32 to vector<16xf32>
      %eq3A_26 = arith.cmpf oeq, %scan3A_21#0, %eq3A : vector<16xf32>
      %jit3A = arith.constant 1024 : i32
      %broadcast_in_dim3A_27 = vector.broadcast %jit3A : i32 to vector<16xi32>
      %select_n3A = arith.select %eq3A_26, %scan3A_21#1, %broadcast_in_dim3A_27 : vector<16xi1>, vector<16xi32>
      %reduce_min3A = arith.constant true
      %reduce_min3A_28 = vector.broadcast %reduce_min3A : i1 to vector<16xi1>
      %reduce_min3A_29 = arith.constant -2147483648 : i32
      %reduce_min3A_30 = vector.broadcast %reduce_min3A_29 : i32 to vector<16xi32>
      %reduce_min3A_31 = arith.xori %select_n3A, %reduce_min3A_30 : vector<16xi32>
      %reduce_min3A_32 = tpu.scan <min>, %reduce_min3A_31 masked %reduce_min3A_28 : vector<16xi32>, vector<16xi1> -> vector<16xi32>
      %reduce_min3A_33 = arith.xori %reduce_min3A_32, %reduce_min3A_30 : vector<16xi32>
      %reduce_min3A_34 = vector.extract %reduce_min3A_33[15] : i32 from vector<16xi32>
      %reduce_sum3A = arith.constant true
      %reduce_sum3A_35 = vector.broadcast %reduce_sum3A : i1 to vector<16xi1>
      %reduce_sum3A_36 = tpu.scan <sum>, %scan3A_21#2 masked %reduce_sum3A_35 : vector<16xi32>, vector<16xi1> -> vector<16xi32>
      %reduce_sum3A_37 = vector.extract %reduce_sum3A_36[15] : i32 from vector<16xi32>
      %gt3A = arith.constant 8.000000e-01 : f32
      %gt3A_38 = arith.cmpf ogt, %reduce_max3A_25, %gt3A : f32
      %jit3A_39 = arith.constant 0xFF800000 : f32
      %select_n3A_40 = arith.select %gt3A_38, %reduce_max3A_25, %jit3A_39 : f32
      %jit3A_41 = arith.constant 16 : i32
      %div3A = arith.divsi %reduce_min3A_34, %jit3A_41 : i32
      %sign3A = arith.constant 0 : i32
      %sign3A_42 = arith.cmpi sgt, %reduce_min3A_34, %sign3A : i32
      %sign3A_43 = arith.extui %sign3A_42 : i1 to i32
      %sign3A_44 = arith.constant 0 : i32
      %sign3A_45 = arith.cmpi slt, %reduce_min3A_34, %sign3A_44 : i32
      %sign3A_46 = arith.extui %sign3A_45 : i1 to i32
      %sign3A_47 = arith.subi %sign3A_43, %sign3A_46 : i32
      %sign3A_48 = arith.constant 0 : i32
      %sign3A_49 = arith.cmpi sgt, %jit3A_41, %sign3A_48 : i32
      %sign3A_50 = arith.extui %sign3A_49 : i1 to i32
      %sign3A_51 = arith.constant 0 : i32
      %sign3A_52 = arith.cmpi slt, %jit3A_41, %sign3A_51 : i32
      %sign3A_53 = arith.extui %sign3A_52 : i1 to i32
      %sign3A_54 = arith.subi %sign3A_50, %sign3A_53 : i32
      %ne3A = arith.cmpi ne, %sign3A_47, %sign3A_54 : i32
      %rem3A = arith.remsi %reduce_min3A_34, %jit3A_41 : i32
      %ne3A_55 = arith.constant 0 : i32
      %ne3A_56 = arith.cmpi ne, %rem3A, %ne3A_55 : i32
      %and3A = arith.andi %ne3A, %ne3A_56 : i1
      %sub3A = arith.constant 1 : i32
      %sub3A_57 = arith.subi %div3A, %sub3A : i32
      %select_n3A_58 = arith.select %and3A, %sub3A_57, %div3A : i32
      %mul3A_59 = arith.constant 16 : i32
      %mul3A_60 = arith.muli %select_n3A_58, %mul3A_59 : i32
      %jit3A_61 = arith.constant 16 : i32
      %eq3A_62 = arith.constant 0 : i32
      %eq3A_63 = arith.cmpi eq, %jit3A_61, %eq3A_62 : i32
      %jit3A_64 = arith.constant 1 : i32
      %select_n3A_65 = arith.select %eq3A_63, %jit3A_64, %jit3A_61 : i32
      %rem3A_66 = arith.remsi %reduce_min3A_34, %select_n3A_65 : i32
      %ne3A_67 = arith.constant 0 : i32
      %ne3A_68 = arith.cmpi ne, %rem3A_66, %ne3A_67 : i32
      %lt3A = arith.constant 0 : i32
      %lt3A_69 = arith.cmpi slt, %rem3A_66, %lt3A : i32
      %lt3A_70 = arith.constant 0 : i32
      %lt3A_71 = arith.cmpi slt, %select_n3A_65, %lt3A_70 : i32
      %ne3A_72 = arith.xori %lt3A_69, %lt3A_71 : i1
      %and3A_73 = arith.andi %ne3A_72, %ne3A_68 : i1
      %add3A_74 = arith.addi %rem3A_66, %select_n3A_65 : i32
      %select_n3A_75 = arith.select %and3A_73, %add3A_74, %rem3A_66 : i32
      %get3A = arith.constant 0 : i32
      %get3A_76 = arith.index_cast %get3A : i32 to index
      %get3A_77 = arith.index_cast %mul3A_60 : i32 to index
      %get3A_78 = tpu.vector_load %arg6[%get3A_76, %get3A_77] {strides = array<i32>} : memref<1x1024xf32, #tpu.memory_space<vmem>>, vector<16xf32>,
      %eq3A_79 = vector.broadcast %select_n3A_75 : i32 to vector<16xi32>
      %eq3A_80 = arith.cmpi eq, %iota3A, %eq3A_79 : vector<16xi32>
      %select_n3A_81 = arith.select %eq3A_80, %broadcast_in_dim3A_1, %get3A_78 : vector<16xi1>, vector<16xf32>
      %swap3A = arith.constant 0 : i32
      %swap3A_82 = arith.index_cast %swap3A : i32 to index
      %swap3A_83 = arith.index_cast %mul3A_60 : i32 to index
      %swap3A_84 = tpu.vector_load %arg6[%swap3A_82, %swap3A_83] {strides = array<i32>} : memref<1x1024xf32, #tpu.memory_space<vmem>>, vector<16xf32>,
      tpu.vector_store %arg6[%swap3A_82, %swap3A_83], %select_n3A_81 {strides = array<i32>} : memref<1x1024xf32, #tpu.memory_space<vmem>>, vector<16xf32>,
      %dma_start3A = arith.constant 0 : i32
      %dma_start3A_85 = tpu.memref_slice %arg3[%reduce_min3A_34, %dma_start3A] : memref<1024x20000xi32, #tpu.memory_space<hbm>> -> memref<1x20000xi32, #tpu.memory_space<hbm>>
      %dma_start3A_86 = arith.constant 0 : i32
      %dma_start3A_87 = tpu.memref_slice %arg3[%reduce_min3A_34, %dma_start3A_86] : memref<1024x20000xi32, #tpu.memory_space<hbm>> -> memref<1x20000xi32, #tpu.memory_space<hbm>>
      tpu.enqueue_dma source(%dma_start3A_87 : memref<1x20000xi32, #tpu.memory_space<hbm>>) target(%arg7 : memref<1x20000xi32, #tpu.memory_space<vmem>>) target_semaphore(%arg13 : memref<!tpu.dma_semaphore, #tpu.memory_space<semaphore_mem>>)
      %scan3A_88 = arith.constant 0 : i32
      %scan3A_89 = arith.constant 64 : i32
      %scan3A_90 = arith.addi %scan3A_88, %scan3A_89 : i32
      %scan3A_91 = arith.constant 1 : i32
      %scan3A_92:2 = scf.for %scan3A_216 = %scan3A_88 to %scan3A_90 step %scan3A_91 iter_args(%scan3A_217 = %broadcast_in_dim3A_1, %scan3A_218 = %broadcast_in_dim3A_3) -> (vector<16xf32>, vector<16xi32>)  : i32 {
        %mul3A_219 = arith.constant 16 : i32
        %mul3A_220 = arith.muli %scan3A_216, %mul3A_219 : i32
        %get3A_221 = arith.constant 0 : i32
        %get3A_222 = arith.index_cast %get3A_221 : i32 to index
        %get3A_223 = arith.index_cast %mul3A_220 : i32 to index
        %get3A_224 = tpu.vector_load %arg6[%get3A_222, %get3A_223] {strides = array<i32>} : memref<1x1024xf32, #tpu.memory_space<vmem>>, vector<16xf32>,
        %mul3A_225 = arith.constant 16 : i32
        %mul3A_226 = arith.muli %scan3A_216, %mul3A_225 : i32
        %add3A_227 = vector.broadcast %mul3A_226 : i32 to vector<16xi32>
        %add3A_228 = arith.addi %iota3A, %add3A_227 : vector<16xi32>
        %gt3A_229 = arith.cmpf ogt, %get3A_224, %scan3A_217 : vector<16xf32>
        %select_n3A_230 = arith.select %gt3A_229, %get3A_224, %scan3A_217 : vector<16xi1>, vector<16xf32>
        %select_n3A_231 = arith.select %gt3A_229, %add3A_228, %scan3A_218 : vector<16xi1>, vector<16xi32>
        scf.yield %select_n3A_230, %select_n3A_231 : vector<16xf32>, vector<16xi32>
      }
      %scan3A_93 = arith.constant 64 : i32
      %reduce_max3A_94 = arith.constant true
      %reduce_max3A_95 = vector.broadcast %reduce_max3A_94 : i1 to vector<16xi1>
      %reduce_max3A_96 = tpu.scan <max>, %scan3A_92#0 masked %reduce_max3A_95 : vector<16xf32>, vector<16xi1> -> vector<16xf32>
      %reduce_max3A_97 = vector.extract %reduce_max3A_96[15] : f32 from vector<16xf32>
      %eq3A_98 = vector.broadcast %reduce_max3A_97 : f32 to vector<16xf32>
      %eq3A_99 = arith.cmpf oeq, %scan3A_92#0, %eq3A_98 : vector<16xf32>
      %jit3A_100 = arith.constant 1024 : i32
      %broadcast_in_dim3A_101 = vector.broadcast %jit3A_100 : i32 to vector<16xi32>
      %select_n3A_102 = arith.select %eq3A_99, %scan3A_92#1, %broadcast_in_dim3A_101 : vector<16xi1>, vector<16xi32>
      %reduce_min3A_103 = arith.constant true
      %reduce_min3A_104 = vector.broadcast %reduce_min3A_103 : i1 to vector<16xi1>
      %reduce_min3A_105 = arith.constant -2147483648 : i32
      %reduce_min3A_106 = vector.broadcast %reduce_min3A_105 : i32 to vector<16xi32>
      %reduce_min3A_107 = arith.xori %select_n3A_102, %reduce_min3A_106 : vector<16xi32>
      %reduce_min3A_108 = tpu.scan <min>, %reduce_min3A_107 masked %reduce_min3A_104 : vector<16xi32>, vector<16xi1> -> vector<16xi32>
      %reduce_min3A_109 = arith.xori %reduce_min3A_108, %reduce_min3A_106 : vector<16xi32>
      %reduce_min3A_110 = vector.extract %reduce_min3A_109[15] : i32 from vector<16xi32>
      %jit3A_111 = arith.constant 16 : i32
      %div3A_112 = arith.divsi %reduce_min3A_110, %jit3A_111 : i32
      %sign3A_113 = arith.constant 0 : i32
      %sign3A_114 = arith.cmpi sgt, %reduce_min3A_110, %sign3A_113 : i32
      %sign3A_115 = arith.extui %sign3A_114 : i1 to i32
      %sign3A_116 = arith.constant 0 : i32
      %sign3A_117 = arith.cmpi slt, %reduce_min3A_110, %sign3A_116 : i32
      %sign3A_118 = arith.extui %sign3A_117 : i1 to i32
      %sign3A_119 = arith.subi %sign3A_115, %sign3A_118 : i32
      %sign3A_120 = arith.constant 0 : i32
      %sign3A_121 = arith.cmpi sgt, %jit3A_111, %sign3A_120 : i32
      %sign3A_122 = arith.extui %sign3A_121 : i1 to i32
      %sign3A_123 = arith.constant 0 : i32
      %sign3A_124 = arith.cmpi slt, %jit3A_111, %sign3A_123 : i32
      %sign3A_125 = arith.extui %sign3A_124 : i1 to i32
      %sign3A_126 = arith.subi %sign3A_122, %sign3A_125 : i32
      %ne3A_127 = arith.cmpi ne, %sign3A_119, %sign3A_126 : i32
      %rem3A_128 = arith.remsi %reduce_min3A_110, %jit3A_111 : i32
      %ne3A_129 = arith.constant 0 : i32
      %ne3A_130 = arith.cmpi ne, %rem3A_128, %ne3A_129 : i32
      %and3A_131 = arith.andi %ne3A_127, %ne3A_130 : i1
      %sub3A_132 = arith.constant 1 : i32
      %sub3A_133 = arith.subi %div3A_112, %sub3A_132 : i32
      %select_n3A_134 = arith.select %and3A_131, %sub3A_133, %div3A_112 : i32
      %mul3A_135 = arith.constant 16 : i32
      %mul3A_136 = arith.muli %select_n3A_134, %mul3A_135 : i32
      %jit3A_137 = arith.constant 16 : i32
      %eq3A_138 = arith.constant 0 : i32
      %eq3A_139 = arith.cmpi eq, %jit3A_137, %eq3A_138 : i32
      %jit3A_140 = arith.constant 1 : i32
      %select_n3A_141 = arith.select %eq3A_139, %jit3A_140, %jit3A_137 : i32
      %rem3A_142 = arith.remsi %reduce_min3A_110, %select_n3A_141 : i32
      %ne3A_143 = arith.constant 0 : i32
      %ne3A_144 = arith.cmpi ne, %rem3A_142, %ne3A_143 : i32
      %lt3A_145 = arith.constant 0 : i32
      %lt3A_146 = arith.cmpi slt, %rem3A_142, %lt3A_145 : i32
      %lt3A_147 = arith.constant 0 : i32
      %lt3A_148 = arith.cmpi slt, %select_n3A_141, %lt3A_147 : i32
      %ne3A_149 = arith.xori %lt3A_146, %lt3A_148 : i1
      %and3A_150 = arith.andi %ne3A_149, %ne3A_144 : i1
      %add3A_151 = arith.addi %rem3A_142, %select_n3A_141 : i32
      %select_n3A_152 = arith.select %and3A_150, %add3A_151, %rem3A_142 : i32
      %get3A_153 = arith.constant 0 : i32
      %get3A_154 = arith.index_cast %get3A_153 : i32 to index
      %get3A_155 = arith.index_cast %mul3A_136 : i32 to index
      %get3A_156 = tpu.vector_load %arg6[%get3A_154, %get3A_155] {strides = array<i32>} : memref<1x1024xf32, #tpu.memory_space<vmem>>, vector<16xf32>,
      %eq3A_157 = vector.broadcast %select_n3A_152 : i32 to vector<16xi32>
      %eq3A_158 = arith.cmpi eq, %iota3A, %eq3A_157 : vector<16xi32>
      %select_n3A_159 = arith.select %eq3A_158, %broadcast_in_dim3A_1, %get3A_156 : vector<16xi1>, vector<16xf32>
      %swap3A_160 = arith.constant 0 : i32
      %swap3A_161 = arith.index_cast %swap3A_160 : i32 to index
      %swap3A_162 = arith.index_cast %mul3A_136 : i32 to index
      %swap3A_163 = tpu.vector_load %arg6[%swap3A_161, %swap3A_162] {strides = array<i32>} : memref<1x1024xf32, #tpu.memory_space<vmem>>, vector<16xf32>,
      tpu.vector_store %arg6[%swap3A_161, %swap3A_162], %select_n3A_159 {strides = array<i32>} : memref<1x1024xf32, #tpu.memory_space<vmem>>, vector<16xf32>,
      %dma_start3A_164 = arith.constant 0 : i32
      %dma_start3A_165 = tpu.memref_slice %arg3[%reduce_min3A_110, %dma_start3A_164] : memref<1024x20000xi32, #tpu.memory_space<hbm>> -> memref<1x20000xi32, #tpu.memory_space<hbm>>
      %dma_start3A_166 = arith.constant 0 : i32
      %dma_start3A_167 = tpu.memref_slice %arg3[%reduce_min3A_110, %dma_start3A_166] : memref<1024x20000xi32, #tpu.memory_space<hbm>> -> memref<1x20000xi32, #tpu.memory_space<hbm>>
      tpu.enqueue_dma source(%dma_start3A_167 : memref<1x20000xi32, #tpu.memory_space<hbm>>) target(%arg8 : memref<1x20000xi32, #tpu.memory_space<vmem>>) target_semaphore(%arg14 : memref<!tpu.dma_semaphore, #tpu.memory_space<semaphore_mem>>)
      %dma_wait3A = arith.constant 0 : i32
      %dma_wait3A_168 = tpu.memref_slice %arg3[%reduce_min3A_34, %dma_wait3A] : memref<1024x20000xi32, #tpu.memory_space<hbm>> -> memref<1x20000xi32, #tpu.memory_space<hbm>>
      %dma_wait3A_169 = arith.constant 0 : i32
      %dma_wait3A_170 = tpu.memref_slice %arg3[%reduce_min3A_34, %dma_wait3A_169] : memref<1024x20000xi32, #tpu.memory_space<hbm>> -> memref<1x20000xi32, #tpu.memory_space<hbm>>
      tpu.wait_dma2 semaphore(%arg13 : memref<!tpu.dma_semaphore, #tpu.memory_space<semaphore_mem>>) src(%dma_wait3A_170 : memref<1x20000xi32, #tpu.memory_space<hbm>>) dst(%arg7 : memref<1x20000xi32, #tpu.memory_space<vmem>>)
      %scan3A_171 = arith.constant 0 : i32
      %scan3A_172 = arith.constant 0 : i32
      %scan3A_173 = arith.constant 1250 : i32
      %scan3A_174 = arith.addi %scan3A_172, %scan3A_173 : i32
      %scan3A_175 = arith.constant 1 : i32
      %scan3A_176 = scf.for %scan3A_216 = %scan3A_172 to %scan3A_174 step %scan3A_175 iter_args(%scan3A_217 = %scan3A_171) -> (i32)  : i32 {
        %mul3A_218 = arith.constant 16 : i32
        %mul3A_219 = arith.muli %scan3A_216, %mul3A_218 : i32
        %get3A_220 = arith.constant 0 : i32
        %get3A_221 = arith.index_cast %get3A_220 : i32 to index
        %get3A_222 = arith.index_cast %mul3A_219 : i32 to index
        %get3A_223 = tpu.vector_load %arg7[%get3A_221, %get3A_222] {strides = array<i32>} : memref<1x20000xi32, #tpu.memory_space<vmem>>, vector<16xi32>,
        %eq3A_224 = arith.constant 1 : i32
        %eq3A_225 = vector.broadcast %eq3A_224 : i32 to vector<16xi32>
        %eq3A_226 = arith.cmpi eq, %get3A_223, %eq3A_225 : vector<16xi32>
        %mul3A_227 = arith.constant 16 : i32
        %mul3A_228 = arith.muli %scan3A_216, %mul3A_227 : i32
        %add3A_229 = vector.broadcast %mul3A_228 : i32 to vector<16xi32>
        %add3A_230 = arith.addi %iota3A, %add3A_229 : vector<16xi32>
        %swap3A_231 = arith.index_cast %scan3A_217 : i32 to index
        %swap3A_232 = tpu.vector_load %arg9[%swap3A_231] masked %eq3A_226 {strides = array<i32>} : memref<20016xi32, #tpu.memory_space<vmem>>, vector<16xi32>, vector<16xi1>
        tpu.vector_store %arg9[%swap3A_231], %add3A_230 masked %eq3A_226 {strides = array<i32>} : memref<20016xi32, #tpu.memory_space<vmem>>, vector<16xi32>, vector<16xi1>
        %all_reduce_population_count3A = tpu.all_reduce %eq3A_226 {dim = 0 : i64, kind = #tpu.reduction_kind<sum>} : vector<16xi1> -> vector<16xi32>
        %reduce_max3A_233 = arith.constant true
        %reduce_max3A_234 = vector.broadcast %reduce_max3A_233 : i1 to vector<16xi1>
        %reduce_max3A_235 = arith.constant -2147483648 : i32
        %reduce_max3A_236 = vector.broadcast %reduce_max3A_235 : i32 to vector<16xi32>
        %reduce_max3A_237 = arith.xori %all_reduce_population_count3A, %reduce_max3A_236 : vector<16xi32>
        %reduce_max3A_238 = tpu.scan <max>, %reduce_max3A_237 masked %reduce_max3A_234 : vector<16xi32>, vector<16xi1> -> vector<16xi32>
        %reduce_max3A_239 = arith.xori %reduce_max3A_238, %reduce_max3A_236 : vector<16xi32>
        %reduce_max3A_240 = vector.extract %reduce_max3A_239[15] : i32 from vector<16xi32>
        %add3A_241 = arith.addi %scan3A_217, %reduce_max3A_240 : i32
        scf.yield %add3A_241 : i32
      }
      %scan3A_177 = arith.constant 1250 : i32
      %while3A = arith.constant 1 : i32
      %while3A_178 = arith.constant true
      %while3A_179:6 = scf.while (%while3A_216 = %while3A, %while3A_217 = %scan3A_176, %while3A_218 = %scan3A_176, %while3A_219 = %select_n3A_40, %while3A_220 = %select_n3A_40, %while3A_221 = %while3A_178) : (i32, i32, i32, f32, f32, i1) -> (i32, i32, i32, f32, f32, i1) {
        %lt3A_222 = arith.cmpi slt, %while3A_216, %reduce_sum3A_37 : i32
        %gt3A_223 = arith.constant 1 : i32
        %gt3A_224 = arith.cmpi sgt, %while3A_217, %gt3A_223 : i32
        %and3A_225 = arith.andi %lt3A_222, %gt3A_224 : i1
        scf.condition(%and3A_225) %while3A_216, %while3A_217, %while3A_218, %while3A_219, %while3A_220, %while3A_221 : i32, i32, i32, f32, f32, i1
      } do {
      ^bb0(%while3A_216: i32, %while3A_217: i32, %while3A_218: i32, %while3A_219: f32, %while3A_220: f32, %while3A_221: i1):
        %convert_element_type3A_222 = arith.extui %while3A_221 : i1 to i32
        %cond3A_223 = arith.constant 0 : i32
        %cond3A_224 = arith.constant 0 : i32
        %cond3A_225 = arith.cmpi ne, %convert_element_type3A_222, %cond3A_224 : i32
        %cond3A_226 = scf.if %cond3A_225 -> (f32) {
          %dma_wait3A_268 = arith.constant 0 : i32
          %dma_wait3A_269 = tpu.memref_slice %arg3[%reduce_min3A_110, %dma_wait3A_268] : memref<1024x20000xi32, #tpu.memory_space<hbm>> -> memref<1x20000xi32, #tpu.memory_space<hbm>>
          %dma_wait3A_270 = arith.constant 0 : i32
          %dma_wait3A_271 = tpu.memref_slice %arg3[%reduce_min3A_110, %dma_wait3A_270] : memref<1024x20000xi32, #tpu.memory_space<hbm>> -> memref<1x20000xi32, #tpu.memory_space<hbm>>
          tpu.wait_dma2 semaphore(%arg14 : memref<!tpu.dma_semaphore, #tpu.memory_space<semaphore_mem>>) src(%dma_wait3A_271 : memref<1x20000xi32, #tpu.memory_space<hbm>>) dst(%arg8 : memref<1x20000xi32, #tpu.memory_space<vmem>>)
          scf.yield %reduce_max3A_97 : f32
        } else {
          %scan3A_268 = arith.constant 0 : i32
          %scan3A_269 = arith.constant 64 : i32
          %scan3A_270 = arith.addi %scan3A_268, %scan3A_269 : i32
          %scan3A_271 = arith.constant 1 : i32
          %scan3A_272:2 = scf.for %scan3A_352 = %scan3A_268 to %scan3A_270 step %scan3A_271 iter_args(%scan3A_353 = %broadcast_in_dim3A_1, %scan3A_354 = %broadcast_in_dim3A_3) -> (vector<16xf32>, vector<16xi32>)  : i32 {
            %mul3A_355 = arith.constant 16 : i32
            %mul3A_356 = arith.muli %scan3A_352, %mul3A_355 : i32
            %get3A_357 = arith.constant 0 : i32
            %get3A_358 = arith.index_cast %get3A_357 : i32 to index
            %get3A_359 = arith.index_cast %mul3A_356 : i32 to index
            %get3A_360 = tpu.vector_load %arg6[%get3A_358, %get3A_359] {strides = array<i32>} : memref<1x1024xf32, #tpu.memory_space<vmem>>, vector<16xf32>,
            %mul3A_361 = arith.constant 16 : i32
            %mul3A_362 = arith.muli %scan3A_352, %mul3A_361 : i32
            %add3A_363 = vector.broadcast %mul3A_362 : i32 to vector<16xi32>
            %add3A_364 = arith.addi %iota3A, %add3A_363 : vector<16xi32>
            %gt3A_365 = arith.cmpf ogt, %get3A_360, %scan3A_353 : vector<16xf32>
            %select_n3A_366 = arith.select %gt3A_365, %get3A_360, %scan3A_353 : vector<16xi1>, vector<16xf32>
            %select_n3A_367 = arith.select %gt3A_365, %add3A_364, %scan3A_354 : vector<16xi1>, vector<16xi32>
            scf.yield %select_n3A_366, %select_n3A_367 : vector<16xf32>, vector<16xi32>
          }
          %scan3A_273 = arith.constant 64 : i32
          %reduce_max3A_274 = arith.constant true
          %reduce_max3A_275 = vector.broadcast %reduce_max3A_274 : i1 to vector<16xi1>
          %reduce_max3A_276 = tpu.scan <max>, %scan3A_272#0 masked %reduce_max3A_275 : vector<16xf32>, vector<16xi1> -> vector<16xf32>
          %reduce_max3A_277 = vector.extract %reduce_max3A_276[15] : f32 from vector<16xf32>
          %eq3A_278 = vector.broadcast %reduce_max3A_277 : f32 to vector<16xf32>
          %eq3A_279 = arith.cmpf oeq, %scan3A_272#0, %eq3A_278 : vector<16xf32>
          %jit3A_280 = arith.constant 1024 : i32
          %broadcast_in_dim3A_281 = vector.broadcast %jit3A_280 : i32 to vector<16xi32>
          %select_n3A_282 = arith.select %eq3A_279, %scan3A_272#1, %broadcast_in_dim3A_281 : vector<16xi1>, vector<16xi32>
          %reduce_min3A_283 = arith.constant true
          %reduce_min3A_284 = vector.broadcast %reduce_min3A_283 : i1 to vector<16xi1>
          %reduce_min3A_285 = arith.constant -2147483648 : i32
          %reduce_min3A_286 = vector.broadcast %reduce_min3A_285 : i32 to vector<16xi32>
          %reduce_min3A_287 = arith.xori %select_n3A_282, %reduce_min3A_286 : vector<16xi32>
          %reduce_min3A_288 = tpu.scan <min>, %reduce_min3A_287 masked %reduce_min3A_284 : vector<16xi32>, vector<16xi1> -> vector<16xi32>
          %reduce_min3A_289 = arith.xori %reduce_min3A_288, %reduce_min3A_286 : vector<16xi32>
          %reduce_min3A_290 = vector.extract %reduce_min3A_289[15] : i32 from vector<16xi32>
          %jit3A_291 = arith.constant 16 : i32
          %div3A_292 = arith.divsi %reduce_min3A_290, %jit3A_291 : i32
          %sign3A_293 = arith.constant 0 : i32
          %sign3A_294 = arith.cmpi sgt, %reduce_min3A_290, %sign3A_293 : i32
          %sign3A_295 = arith.extui %sign3A_294 : i1 to i32
          %sign3A_296 = arith.constant 0 : i32
          %sign3A_297 = arith.cmpi slt, %reduce_min3A_290, %sign3A_296 : i32
          %sign3A_298 = arith.extui %sign3A_297 : i1 to i32
          %sign3A_299 = arith.subi %sign3A_295, %sign3A_298 : i32
          %sign3A_300 = arith.constant 0 : i32
          %sign3A_301 = arith.cmpi sgt, %jit3A_291, %sign3A_300 : i32
          %sign3A_302 = arith.extui %sign3A_301 : i1 to i32
          %sign3A_303 = arith.constant 0 : i32
          %sign3A_304 = arith.cmpi slt, %jit3A_291, %sign3A_303 : i32
          %sign3A_305 = arith.extui %sign3A_304 : i1 to i32
          %sign3A_306 = arith.subi %sign3A_302, %sign3A_305 : i32
          %ne3A_307 = arith.cmpi ne, %sign3A_299, %sign3A_306 : i32
          %rem3A_308 = arith.remsi %reduce_min3A_290, %jit3A_291 : i32
          %ne3A_309 = arith.constant 0 : i32
          %ne3A_310 = arith.cmpi ne, %rem3A_308, %ne3A_309 : i32
          %and3A_311 = arith.andi %ne3A_307, %ne3A_310 : i1
          %sub3A_312 = arith.constant 1 : i32
          %sub3A_313 = arith.subi %div3A_292, %sub3A_312 : i32
          %select_n3A_314 = arith.select %and3A_311, %sub3A_313, %div3A_292 : i32
          %mul3A_315 = arith.constant 16 : i32
          %mul3A_316 = arith.muli %select_n3A_314, %mul3A_315 : i32
          %jit3A_317 = arith.constant 16 : i32
          %eq3A_318 = arith.constant 0 : i32
          %eq3A_319 = arith.cmpi eq, %jit3A_317, %eq3A_318 : i32
          %jit3A_320 = arith.constant 1 : i32
          %select_n3A_321 = arith.select %eq3A_319, %jit3A_320, %jit3A_317 : i32
          %rem3A_322 = arith.remsi %reduce_min3A_290, %select_n3A_321 : i32
          %ne3A_323 = arith.constant 0 : i32
          %ne3A_324 = arith.cmpi ne, %rem3A_322, %ne3A_323 : i32
          %lt3A_325 = arith.constant 0 : i32
          %lt3A_326 = arith.cmpi slt, %rem3A_322, %lt3A_325 : i32
          %lt3A_327 = arith.constant 0 : i32
          %lt3A_328 = arith.cmpi slt, %select_n3A_321, %lt3A_327 : i32
          %ne3A_329 = arith.xori %lt3A_326, %lt3A_328 : i1
          %and3A_330 = arith.andi %ne3A_329, %ne3A_324 : i1
          %add3A_331 = arith.addi %rem3A_322, %select_n3A_321 : i32
          %select_n3A_332 = arith.select %and3A_330, %add3A_331, %rem3A_322 : i32
          %get3A_333 = arith.constant 0 : i32
          %get3A_334 = arith.index_cast %get3A_333 : i32 to index
          %get3A_335 = arith.index_cast %mul3A_316 : i32 to index
          %get3A_336 = tpu.vector_load %arg6[%get3A_334, %get3A_335] {strides = array<i32>} : memref<1x1024xf32, #tpu.memory_space<vmem>>, vector<16xf32>,
          %eq3A_337 = vector.broadcast %select_n3A_332 : i32 to vector<16xi32>
          %eq3A_338 = arith.cmpi eq, %iota3A, %eq3A_337 : vector<16xi32>
          %select_n3A_339 = arith.select %eq3A_338, %broadcast_in_dim3A_1, %get3A_336 : vector<16xi1>, vector<16xf32>
          %swap3A_340 = arith.constant 0 : i32
          %swap3A_341 = arith.index_cast %swap3A_340 : i32 to index
          %swap3A_342 = arith.index_cast %mul3A_316 : i32 to index
          %swap3A_343 = tpu.vector_load %arg6[%swap3A_341, %swap3A_342] {strides = array<i32>} : memref<1x1024xf32, #tpu.memory_space<vmem>>, vector<16xf32>,
          tpu.vector_store %arg6[%swap3A_341, %swap3A_342], %select_n3A_339 {strides = array<i32>} : memref<1x1024xf32, #tpu.memory_space<vmem>>, vector<16xf32>,
          %dma_start3A_344 = arith.constant 0 : i32
          %dma_start3A_345 = tpu.memref_slice %arg3[%reduce_min3A_290, %dma_start3A_344] : memref<1024x20000xi32, #tpu.memory_space<hbm>> -> memref<1x20000xi32, #tpu.memory_space<hbm>>
          %dma_start3A_346 = arith.constant 0 : i32
          %dma_start3A_347 = tpu.memref_slice %arg3[%reduce_min3A_290, %dma_start3A_346] : memref<1024x20000xi32, #tpu.memory_space<hbm>> -> memref<1x20000xi32, #tpu.memory_space<hbm>>
          tpu.enqueue_dma source(%dma_start3A_347 : memref<1x20000xi32, #tpu.memory_space<hbm>>) target(%arg8 : memref<1x20000xi32, #tpu.memory_space<vmem>>) target_semaphore(%arg14 : memref<!tpu.dma_semaphore, #tpu.memory_space<semaphore_mem>>)
          %dma_wait3A_348 = arith.constant 0 : i32
          %dma_wait3A_349 = tpu.memref_slice %arg3[%reduce_min3A_290, %dma_wait3A_348] : memref<1024x20000xi32, #tpu.memory_space<hbm>> -> memref<1x20000xi32, #tpu.memory_space<hbm>>
          %dma_wait3A_350 = arith.constant 0 : i32
          %dma_wait3A_351 = tpu.memref_slice %arg3[%reduce_min3A_290, %dma_wait3A_350] : memref<1024x20000xi32, #tpu.memory_space<hbm>> -> memref<1x20000xi32, #tpu.memory_space<hbm>>
          tpu.wait_dma2 semaphore(%arg14 : memref<!tpu.dma_semaphore, #tpu.memory_space<semaphore_mem>>) src(%dma_wait3A_351 : memref<1x20000xi32, #tpu.memory_space<hbm>>) dst(%arg8 : memref<1x20000xi32, #tpu.memory_space<vmem>>)
          scf.yield %reduce_max3A_277 : f32
        }
        %add3A_227 = arith.constant 15 : i32
        %add3A_228 = arith.addi %while3A_217, %add3A_227 : i32
        %jit3A_229 = arith.constant 16 : i32
        %div3A_230 = arith.divsi %add3A_228, %jit3A_229 : i32
        %sign3A_231 = arith.constant 0 : i32
        %sign3A_232 = arith.cmpi sgt, %add3A_228, %sign3A_231 : i32
        %sign3A_233 = arith.extui %sign3A_232 : i1 to i32
        %sign3A_234 = arith.constant 0 : i32
        %sign3A_235 = arith.cmpi slt, %add3A_228, %sign3A_234 : i32
        %sign3A_236 = arith.extui %sign3A_235 : i1 to i32
        %sign3A_237 = arith.subi %sign3A_233, %sign3A_236 : i32
        %sign3A_238 = arith.constant 0 : i32
        %sign3A_239 = arith.cmpi sgt, %jit3A_229, %sign3A_238 : i32
        %sign3A_240 = arith.extui %sign3A_239 : i1 to i32
        %sign3A_241 = arith.constant 0 : i32
        %sign3A_242 = arith.cmpi slt, %jit3A_229, %sign3A_241 : i32
        %sign3A_243 = arith.extui %sign3A_242 : i1 to i32
        %sign3A_244 = arith.subi %sign3A_240, %sign3A_243 : i32
        %ne3A_245 = arith.cmpi ne, %sign3A_237, %sign3A_244 : i32
        %rem3A_246 = arith.remsi %add3A_228, %jit3A_229 : i32
        %ne3A_247 = arith.constant 0 : i32
        %ne3A_248 = arith.cmpi ne, %rem3A_246, %ne3A_247 : i32
        %and3A_249 = arith.andi %ne3A_245, %ne3A_248 : i1
        %sub3A_250 = arith.constant 1 : i32
        %sub3A_251 = arith.subi %div3A_230, %sub3A_250 : i32
        %select_n3A_252 = arith.select %and3A_249, %sub3A_251, %div3A_230 : i32
        %while3A_253 = arith.constant 0 : i32
        %while3A_254 = arith.constant 0 : i32
        %while3A_255 = arith.subi %select_n3A_252, %while3A_253 : i32
        %while3A_256 = arith.addi %while3A_253, %while3A_255 : i32
        %while3A_257 = arith.constant 1 : i32
        %while3A_258 = arith.divsi %while3A_255, %while3A_257 : i32
        %while3A_259 = arith.muli %while3A_258, %while3A_257 : i32
        %while3A_260 = arith.addi %while3A_253, %while3A_259 : i32
        %while3A_261 = arith.constant 1 : i32
        %while3A_262 = scf.for %while3A_268 = %while3A_253 to %while3A_260 step %while3A_261 iter_args(%while3A_269 = %while3A_254) -> (i32)  : i32 {
          %mul3A_270 = arith.constant 16 : i32
          %mul3A_271 = arith.muli %while3A_268, %mul3A_270 : i32
          %get3A_272 = arith.index_cast %mul3A_271 : i32 to index
          %get3A_273 = tpu.vector_load %arg9[%get3A_272] {strides = array<i32>} : memref<20016xi32, #tpu.memory_space<vmem>>, vector<16xi32>,
          %mul3A_274 = arith.constant 16 : i32
          %mul3A_275 = arith.muli %while3A_268, %mul3A_274 : i32
          %swap3A_276 = arith.index_cast %mul3A_275 : i32 to index
          %swap3A_277 = tpu.vector_load %arg10[%swap3A_276] {strides = array<i32>} : memref<20016xi32, #tpu.memory_space<vmem>>, vector<16xi32>,
          tpu.vector_store %arg10[%swap3A_276], %get3A_273 {strides = array<i32>} : memref<20016xi32, #tpu.memory_space<vmem>>, vector<16xi32>,
          %mul3A_278 = arith.constant 16 : i32
          %mul3A_279 = arith.muli %while3A_268, %mul3A_278 : i32
          %add3A_280 = vector.broadcast %mul3A_279 : i32 to vector<16xi32>
          %add3A_281 = arith.addi %iota3A, %add3A_280 : vector<16xi32>
          %lt3A_282 = vector.broadcast %while3A_217 : i32 to vector<16xi32>
          %lt3A_283 = arith.cmpi slt, %add3A_281, %lt3A_282 : vector<16xi32>
          %select_n3A_284 = arith.select %lt3A_283, %get3A_273, %broadcast_in_dim3A_3 : vector<16xi1>, vector<16xi32>
          %gather3A = tpu.vector_load_idx %arg8[%broadcast_in_dim3A_3, %select_n3A_284] masked %lt3A_283 : memref<1x20000xi32, #tpu.memory_space<vmem>>[vector<16xi32>, vector<16xi32>], vector<16xi32>, vector<16xi1>
          %eq3A_285 = arith.constant 1 : i32
          %eq3A_286 = vector.broadcast %eq3A_285 : i32 to vector<16xi32>
          %eq3A_287 = arith.cmpi eq, %gather3A, %eq3A_286 : vector<16xi32>
          %and3A_288 = arith.andi %lt3A_283, %eq3A_287 : vector<16xi1>
          %swap3A_289 = arith.index_cast %while3A_269 : i32 to index
          %swap3A_290 = tpu.vector_load %arg9[%swap3A_289] masked %and3A_288 {strides = array<i32>} : memref<20016xi32, #tpu.memory_space<vmem>>, vector<16xi32>, vector<16xi1>
          tpu.vector_store %arg9[%swap3A_289], %select_n3A_284 masked %and3A_288 {strides = array<i32>} : memref<20016xi32, #tpu.memory_space<vmem>>, vector<16xi32>, vector<16xi1>
          %all_reduce_population_count3A = tpu.all_reduce %and3A_288 {dim = 0 : i64, kind = #tpu.reduction_kind<sum>} : vector<16xi1> -> vector<16xi32>
          %reduce_max3A_291 = arith.constant true
          %reduce_max3A_292 = vector.broadcast %reduce_max3A_291 : i1 to vector<16xi1>
          %reduce_max3A_293 = arith.constant -2147483648 : i32
          %reduce_max3A_294 = vector.broadcast %reduce_max3A_293 : i32 to vector<16xi32>
          %reduce_max3A_295 = arith.xori %all_reduce_population_count3A, %reduce_max3A_294 : vector<16xi32>
          %reduce_max3A_296 = tpu.scan <max>, %reduce_max3A_295 masked %reduce_max3A_292 : vector<16xi32>, vector<16xi1> -> vector<16xi32>
          %reduce_max3A_297 = arith.xori %reduce_max3A_296, %reduce_max3A_294 : vector<16xi32>
          %reduce_max3A_298 = vector.extract %reduce_max3A_297[15] : i32 from vector<16xi32>
          %add3A_299 = arith.addi %while3A_269, %reduce_max3A_298 : i32
          scf.yield %add3A_299 : i32
        }
        %while3A_263 = arith.constant 1 : i32
        %while3A_264 = scf.for %while3A_268 = %while3A_260 to %while3A_256 step %while3A_263 iter_args(%while3A_269 = %while3A_262) -> (i32)  : i32 {
          %mul3A_270 = arith.constant 16 : i32
          %mul3A_271 = arith.muli %while3A_268, %mul3A_270 : i32
          %get3A_272 = arith.index_cast %mul3A_271 : i32 to index
          %get3A_273 = tpu.vector_load %arg9[%get3A_272] {strides = array<i32>} : memref<20016xi32, #tpu.memory_space<vmem>>, vector<16xi32>,
          %mul3A_274 = arith.constant 16 : i32
          %mul3A_275 = arith.muli %while3A_268, %mul3A_274 : i32
          %swap3A_276 = arith.index_cast %mul3A_275 : i32 to index
          %swap3A_277 = tpu.vector_load %arg10[%swap3A_276] {strides = array<i32>} : memref<20016xi32, #tpu.memory_space<vmem>>, vector<16xi32>,
          tpu.vector_store %arg10[%swap3A_276], %get3A_273 {strides = array<i32>} : memref<20016xi32, #tpu.memory_space<vmem>>, vector<16xi32>,
          %mul3A_278 = arith.constant 16 : i32
          %mul3A_279 = arith.muli %while3A_268, %mul3A_278 : i32
          %add3A_280 = vector.broadcast %mul3A_279 : i32 to vector<16xi32>
          %add3A_281 = arith.addi %iota3A, %add3A_280 : vector<16xi32>
          %lt3A_282 = vector.broadcast %while3A_217 : i32 to vector<16xi32>
          %lt3A_283 = arith.cmpi slt, %add3A_281, %lt3A_282 : vector<16xi32>
          %select_n3A_284 = arith.select %lt3A_283, %get3A_273, %broadcast_in_dim3A_3 : vector<16xi1>, vector<16xi32>
          %gather3A = tpu.vector_load_idx %arg8[%broadcast_in_dim3A_3, %select_n3A_284] masked %lt3A_283 : memref<1x20000xi32, #tpu.memory_space<vmem>>[vector<16xi32>, vector<16xi32>], vector<16xi32>, vector<16xi1>
          %eq3A_285 = arith.constant 1 : i32
          %eq3A_286 = vector.broadcast %eq3A_285 : i32 to vector<16xi32>
          %eq3A_287 = arith.cmpi eq, %gather3A, %eq3A_286 : vector<16xi32>
          %and3A_288 = arith.andi %lt3A_283, %eq3A_287 : vector<16xi1>
          %swap3A_289 = arith.index_cast %while3A_269 : i32 to index
          %swap3A_290 = tpu.vector_load %arg9[%swap3A_289] masked %and3A_288 {strides = array<i32>} : memref<20016xi32, #tpu.memory_space<vmem>>, vector<16xi32>, vector<16xi1>
          tpu.vector_store %arg9[%swap3A_289], %select_n3A_284 masked %and3A_288 {strides = array<i32>} : memref<20016xi32, #tpu.memory_space<vmem>>, vector<16xi32>, vector<16xi1>
          %all_reduce_population_count3A = tpu.all_reduce %and3A_288 {dim = 0 : i64, kind = #tpu.reduction_kind<sum>} : vector<16xi1> -> vector<16xi32>
          %reduce_max3A_291 = arith.constant true
          %reduce_max3A_292 = vector.broadcast %reduce_max3A_291 : i1 to vector<16xi1>
          %reduce_max3A_293 = arith.constant -2147483648 : i32
          %reduce_max3A_294 = vector.broadcast %reduce_max3A_293 : i32 to vector<16xi32>
          %reduce_max3A_295 = arith.xori %all_reduce_population_count3A, %reduce_max3A_294 : vector<16xi32>
          %reduce_max3A_296 = tpu.scan <max>, %reduce_max3A_295 masked %reduce_max3A_292 : vector<16xi32>, vector<16xi1> -> vector<16xi32>
          %reduce_max3A_297 = arith.xori %reduce_max3A_296, %reduce_max3A_294 : vector<16xi32>
          %reduce_max3A_298 = vector.extract %reduce_max3A_297[15] : i32 from vector<16xi32>
          %add3A_299 = arith.addi %while3A_269, %reduce_max3A_298 : i32
          scf.yield %add3A_299 : i32
        }
        %add3A_265 = arith.constant 1 : i32
        %add3A_266 = arith.addi %while3A_216, %add3A_265 : i32
        %while3A_267 = arith.constant false
        scf.yield %add3A_266, %while3A_264, %while3A_217, %cond3A_226, %while3A_219, %while3A_267 : i32, i32, i32, f32, f32, i1
      }
      %convert_element_type3A = arith.extui %while3A_179#5 : i1 to i32
      %cond3A = arith.constant 0 : i32
      %cond3A_180 = arith.cmpi ne, %convert_element_type3A, %cond3A : i32
      scf.if %cond3A_180 {
        %dma_wait3A_216 = arith.constant 0 : i32
        %dma_wait3A_217 = tpu.memref_slice %arg3[%reduce_min3A_110, %dma_wait3A_216] : memref<1024x20000xi32, #tpu.memory_space<hbm>> -> memref<1x20000xi32, #tpu.memory_space<hbm>>
        %dma_wait3A_218 = arith.constant 0 : i32
        %dma_wait3A_219 = tpu.memref_slice %arg3[%reduce_min3A_110, %dma_wait3A_218] : memref<1024x20000xi32, #tpu.memory_space<hbm>> -> memref<1x20000xi32, #tpu.memory_space<hbm>>
        tpu.wait_dma2 semaphore(%arg14 : memref<!tpu.dma_semaphore, #tpu.memory_space<semaphore_mem>>) src(%dma_wait3A_219 : memref<1x20000xi32, #tpu.memory_space<hbm>>) dst(%arg8 : memref<1x20000xi32, #tpu.memory_space<vmem>>)
      } else {
      }
      %eq3A_181 = arith.constant 0 : i32
      %eq3A_182 = arith.cmpi eq, %while3A_179#1, %eq3A_181 : i32
      %broadcast_in_dim3A_183 = vector.broadcast %eq3A_182 : i1 to vector<16xi1>
      %sub3A_184 = arith.constant 1 : i32
      %sub3A_185 = arith.subi %while3A_179#0, %sub3A_184 : i32
      %select_n3A_186 = arith.select %eq3A_182, %sub3A_185, %while3A_179#0 : i32
      %select_n3A_187 = arith.select %eq3A_182, %while3A_179#2, %while3A_179#1 : i32
      %select_n3A_188 = arith.select %eq3A_182, %while3A_179#4, %while3A_179#3 : f32
      %eq3A_189 = arith.constant 1 : i32
      %eq3A_190 = arith.cmpi eq, %select_n3A_186, %eq3A_189 : i32
      %select_n3A_191 = arith.select %eq3A_190, %reduce_max3A_25, %select_n3A_188 : f32
      %get3A_192 = arith.constant 0 : index
      %get3A_193 = tpu.vector_load %arg10[%get3A_192] {strides = array<i32>} : memref<20016xi32, #tpu.memory_space<vmem>>, vector<16xi32>,
      %get3A_194 = arith.constant 0 : index
      %get3A_195 = tpu.vector_load %arg9[%get3A_194] {strides = array<i32>} : memref<20016xi32, #tpu.memory_space<vmem>>, vector<16xi32>,
      %select_n3A_196 = arith.select %broadcast_in_dim3A_183, %get3A_193, %get3A_195 : vector<16xi1>, vector<16xi32>
      %lt3A_197 = arith.constant 5 : i32
      %lt3A_198 = vector.broadcast %lt3A_197 : i32 to vector<16xi32>
      %lt3A_199 = arith.cmpi slt, %iota3A, %lt3A_198 : vector<16xi32>
      %lt3A_200 = vector.broadcast %select_n3A_187 : i32 to vector<16xi32>
      %lt3A_201 = arith.cmpi slt, %iota3A, %lt3A_200 : vector<16xi32>
      %and3A_202 = arith.andi %lt3A_199, %lt3A_201 : vector<16xi1>
      %jit3A_203 = arith.constant -1 : i32
      %broadcast_in_dim3A_204 = vector.broadcast %jit3A_203 : i32 to vector<16xi32>
      %select_n3A_205 = arith.select %and3A_202, %select_n3A_196, %broadcast_in_dim3A_204 : vector<16xi1>, vector<16xi32>
      %swap3A_206 = arith.constant 0 : i32
      %swap3A_207 = arith.index_cast %swap3A_206 : i32 to index
      %swap3A_208 = arith.constant 0 : index
      %swap3A_209 = tpu.vector_load %arg11[%swap3A_207, %swap3A_208] {strides = array<i32>} : memref<1x16xi32, #tpu.memory_space<vmem>>, vector<16xi32>,
      tpu.vector_store %arg11[%swap3A_207, %swap3A_208], %select_n3A_205 {strides = array<i32>} : memref<1x16xi32, #tpu.memory_space<vmem>>, vector<16xi32>,
      %broadcast_in_dim3A_210 = vector.broadcast %select_n3A_191 : f32 to vector<16xf32>
      %swap3A_211 = arith.constant 0 : i32
      %swap3A_212 = arith.index_cast %swap3A_211 : i32 to index
      %swap3A_213 = arith.constant 0 : index
      %swap3A_214 = tpu.vector_load %arg12[%swap3A_212, %swap3A_213] {strides = array<i32>} : memref<1x16xf32, #tpu.memory_space<vmem>>, vector<16xf32>,
      tpu.vector_store %arg12[%swap3A_212, %swap3A_213], %broadcast_in_dim3A_210 {strides = array<i32>} : memref<1x16xf32, #tpu.memory_space<vmem>>, vector<16xf32>,
      "tpu.region"() ({
        %run_scoped3A = tpu.sem_alloc : memref<!tpu.dma_semaphore, #tpu.memory_space<semaphore_mem>>
        %dma_start3A_216 = arith.constant 0 : i32
        %dma_start3A_217 = tpu.memref_slice %arg4[%add3A_16, %dma_start3A_216] : memref<128x16xi32, #tpu.memory_space<hbm>> -> memref<1x16xi32, #tpu.memory_space<hbm>>
        %dma_start3A_218 = arith.constant 0 : i32
        %dma_start3A_219 = tpu.memref_slice %arg4[%add3A_16, %dma_start3A_218] : memref<128x16xi32, #tpu.memory_space<hbm>> -> memref<1x16xi32, #tpu.memory_space<hbm>>
        tpu.enqueue_dma source(%arg11 : memref<1x16xi32, #tpu.memory_space<vmem>>) target(%dma_start3A_219 : memref<1x16xi32, #tpu.memory_space<hbm>>) target_semaphore(%run_scoped3A : memref<!tpu.dma_semaphore, #tpu.memory_space<semaphore_mem>>)
        %dma_wait3A_220 = arith.constant 0 : i32
        %dma_wait3A_221 = tpu.memref_slice %arg4[%add3A_16, %dma_wait3A_220] : memref<128x16xi32, #tpu.memory_space<hbm>> -> memref<1x16xi32, #tpu.memory_space<hbm>>
        %dma_wait3A_222 = arith.constant 0 : i32
        %dma_wait3A_223 = tpu.memref_slice %arg4[%add3A_16, %dma_wait3A_222] : memref<128x16xi32, #tpu.memory_space<hbm>> -> memref<1x16xi32, #tpu.memory_space<hbm>>
        tpu.wait_dma2 semaphore(%run_scoped3A : memref<!tpu.dma_semaphore, #tpu.memory_space<semaphore_mem>>) src(%arg11 : memref<1x16xi32, #tpu.memory_space<vmem>>) dst(%dma_wait3A_223 : memref<1x16xi32, #tpu.memory_space<hbm>>)
        tpu.yield
      }) : () -> ()
      "tpu.region"() ({
        %run_scoped3A = tpu.sem_alloc : memref<!tpu.dma_semaphore, #tpu.memory_space<semaphore_mem>>
        %dma_start3A_216 = arith.constant 0 : i32
        %dma_start3A_217 = tpu.memref_slice %arg5[%add3A_16, %dma_start3A_216] : memref<128x16xf32, #tpu.memory_space<hbm>> -> memref<1x16xf32, #tpu.memory_space<hbm>>
        %dma_start3A_218 = arith.constant 0 : i32
        %dma_start3A_219 = tpu.memref_slice %arg5[%add3A_16, %dma_start3A_218] : memref<128x16xf32, #tpu.memory_space<hbm>> -> memref<1x16xf32, #tpu.memory_space<hbm>>
        tpu.enqueue_dma source(%arg12 : memref<1x16xf32, #tpu.memory_space<vmem>>) target(%dma_start3A_219 : memref<1x16xf32, #tpu.memory_space<hbm>>) target_semaphore(%run_scoped3A : memref<!tpu.dma_semaphore, #tpu.memory_space<semaphore_mem>>)
        %dma_wait3A_220 = arith.constant 0 : i32
        %dma_wait3A_221 = tpu.memref_slice %arg5[%add3A_16, %dma_wait3A_220] : memref<128x16xf32, #tpu.memory_space<hbm>> -> memref<1x16xf32, #tpu.memory_space<hbm>>
        %dma_wait3A_222 = arith.constant 0 : i32
        %dma_wait3A_223 = tpu.memref_slice %arg5[%add3A_16, %dma_wait3A_222] : memref<128x16xf32, #tpu.memory_space<hbm>> -> memref<1x16xf32, #tpu.memory_space<hbm>>
        tpu.wait_dma2 semaphore(%run_scoped3A : memref<!tpu.dma_semaphore, #tpu.memory_space<semaphore_mem>>) src(%arg12 : memref<1x16xf32, #tpu.memory_space<vmem>>) dst(%dma_wait3A_223 : memref<1x16xf32, #tpu.memory_space<hbm>>)
        tpu.yield
      }) : () -> ()
      %scan3A_215 = arith.constant 0 : i32
      scf.yield %scan3A_215 : i32
    }
    %scan3A_11 = arith.constant 4 : i32
    return
  }
}

module attributes {stable_mosaic.version = 14 : i64} {
  func.func @_top5_body(%arg0: i32, %arg1: memref<8x20000xf32, #tpu.memory_space<vmem>>, %arg2: memref<8x5xf32, #tpu.memory_space<vmem>>, %arg3: memref<8x5xi32, #tpu.memory_space<vmem>>) attributes {dimension_semantics = [#tpu.dimension_semantics<arbitrary>], iteration_bounds = array<i64: 16>, scalar_prefetch = 0 : i64, scratch_operands = 0 : i64, tpu.core_type = #tpu.core_type<tc>, window_params = [{transform_indices = @transform_0, window_bounds = array<i64: 8, 20000>}, {transform_indices = @transform_1, window_bounds = array<i64: 8, 5>}, {transform_indices = @transform_2, window_bounds = array<i64: 8, 5>}]} {
    %get3A = arith.constant 0 : index
    %get3A_0 = arith.constant 0 : index
    %get3A_1 = vector.load %arg1[%get3A, %get3A_0] : memref<8x20000xf32, #tpu.memory_space<vmem>>, vector<8x20000xf32>
    %iota3A = tpu.iota {dimensions = array<i32: 1>} : vector<8x20000xi32>
    %lt3A = arith.constant 20000 : i32
    %lt3A_2 = vector.broadcast %lt3A : i32 to vector<8x20000xi32>
    %lt3A_3 = arith.cmpi slt, %iota3A, %lt3A_2 : vector<8x20000xi32>
    %jit3A = arith.constant 0xFF800000 : f32
    %broadcast_in_dim3A = vector.broadcast %jit3A : f32 to vector<8x20000xf32>
    %select_n3A = arith.select %lt3A_3, %get3A_1, %broadcast_in_dim3A : vector<8x20000xi1>, vector<8x20000xf32>
    %reduce_max3A = arith.constant dense<0xFF800000> : vector<8xf32>
    %reduce_max3A_4 = vector.multi_reduction <maximumf>, %select_n3A, %reduce_max3A [1] : vector<8x20000xf32> to vector<8xf32>
    %broadcast_in_dim3A_5 = vector.shape_cast %reduce_max3A_4 : vector<8xf32> to vector<8x1xf32>
    %eq3A = vector.broadcast %broadcast_in_dim3A_5 : vector<8x1xf32> to vector<8x20000xf32>
    %eq3A_6 = arith.cmpf oeq, %select_n3A, %eq3A : vector<8x20000xf32>
    %jit3A_7 = arith.constant 20000 : i32
    %broadcast_in_dim3A_8 = vector.broadcast %jit3A_7 : i32 to vector<8x20000xi32>
    %select_n3A_9 = arith.select %eq3A_6, %iota3A, %broadcast_in_dim3A_8 : vector<8x20000xi1>, vector<8x20000xi32>
    %reduce_min3A = arith.constant dense<2147483647> : vector<8xi32>
    %reduce_min3A_10 = vector.multi_reduction <minsi>, %select_n3A_9, %reduce_min3A [1] : vector<8x20000xi32> to vector<8xi32>
    %broadcast_in_dim3A_11 = vector.shape_cast %reduce_min3A_10 : vector<8xi32> to vector<8x1xi32>
    %eq3A_12 = vector.broadcast %broadcast_in_dim3A_11 : vector<8x1xi32> to vector<8x20000xi32>
    %eq3A_13 = arith.cmpi eq, %iota3A, %eq3A_12 : vector<8x20000xi32>
    %jit3A_14 = arith.constant 0xFF800000 : f32
    %broadcast_in_dim3A_15 = vector.broadcast %jit3A_14 : f32 to vector<8x20000xf32>
    %select_n3A_16 = arith.select %eq3A_13, %broadcast_in_dim3A_15, %select_n3A : vector<8x20000xi1>, vector<8x20000xf32>
    %reduce_max3A_17 = arith.constant dense<0xFF800000> : vector<8xf32>
    %reduce_max3A_18 = vector.multi_reduction <maximumf>, %select_n3A_16, %reduce_max3A_17 [1] : vector<8x20000xf32> to vector<8xf32>
    %broadcast_in_dim3A_19 = vector.shape_cast %reduce_max3A_18 : vector<8xf32> to vector<8x1xf32>
    %eq3A_20 = vector.broadcast %broadcast_in_dim3A_19 : vector<8x1xf32> to vector<8x20000xf32>
    %eq3A_21 = arith.cmpf oeq, %select_n3A_16, %eq3A_20 : vector<8x20000xf32>
    %jit3A_22 = arith.constant 20000 : i32
    %broadcast_in_dim3A_23 = vector.broadcast %jit3A_22 : i32 to vector<8x20000xi32>
    %select_n3A_24 = arith.select %eq3A_21, %iota3A, %broadcast_in_dim3A_23 : vector<8x20000xi1>, vector<8x20000xi32>
    %reduce_min3A_25 = arith.constant dense<2147483647> : vector<8xi32>
    %reduce_min3A_26 = vector.multi_reduction <minsi>, %select_n3A_24, %reduce_min3A_25 [1] : vector<8x20000xi32> to vector<8xi32>
    %broadcast_in_dim3A_27 = vector.shape_cast %reduce_min3A_26 : vector<8xi32> to vector<8x1xi32>
    %eq3A_28 = vector.broadcast %broadcast_in_dim3A_27 : vector<8x1xi32> to vector<8x20000xi32>
    %eq3A_29 = arith.cmpi eq, %iota3A, %eq3A_28 : vector<8x20000xi32>
    %jit3A_30 = arith.constant 0xFF800000 : f32
    %broadcast_in_dim3A_31 = vector.broadcast %jit3A_30 : f32 to vector<8x20000xf32>
    %select_n3A_32 = arith.select %eq3A_29, %broadcast_in_dim3A_31, %select_n3A_16 : vector<8x20000xi1>, vector<8x20000xf32>
    %reduce_max3A_33 = arith.constant dense<0xFF800000> : vector<8xf32>
    %reduce_max3A_34 = vector.multi_reduction <maximumf>, %select_n3A_32, %reduce_max3A_33 [1] : vector<8x20000xf32> to vector<8xf32>
    %broadcast_in_dim3A_35 = vector.shape_cast %reduce_max3A_34 : vector<8xf32> to vector<8x1xf32>
    %eq3A_36 = vector.broadcast %broadcast_in_dim3A_35 : vector<8x1xf32> to vector<8x20000xf32>
    %eq3A_37 = arith.cmpf oeq, %select_n3A_32, %eq3A_36 : vector<8x20000xf32>
    %jit3A_38 = arith.constant 20000 : i32
    %broadcast_in_dim3A_39 = vector.broadcast %jit3A_38 : i32 to vector<8x20000xi32>
    %select_n3A_40 = arith.select %eq3A_37, %iota3A, %broadcast_in_dim3A_39 : vector<8x20000xi1>, vector<8x20000xi32>
    %reduce_min3A_41 = arith.constant dense<2147483647> : vector<8xi32>
    %reduce_min3A_42 = vector.multi_reduction <minsi>, %select_n3A_40, %reduce_min3A_41 [1] : vector<8x20000xi32> to vector<8xi32>
    %broadcast_in_dim3A_43 = vector.shape_cast %reduce_min3A_42 : vector<8xi32> to vector<8x1xi32>
    %eq3A_44 = vector.broadcast %broadcast_in_dim3A_43 : vector<8x1xi32> to vector<8x20000xi32>
    %eq3A_45 = arith.cmpi eq, %iota3A, %eq3A_44 : vector<8x20000xi32>
    %jit3A_46 = arith.constant 0xFF800000 : f32
    %broadcast_in_dim3A_47 = vector.broadcast %jit3A_46 : f32 to vector<8x20000xf32>
    %select_n3A_48 = arith.select %eq3A_45, %broadcast_in_dim3A_47, %select_n3A_32 : vector<8x20000xi1>, vector<8x20000xf32>
    %reduce_max3A_49 = arith.constant dense<0xFF800000> : vector<8xf32>
    %reduce_max3A_50 = vector.multi_reduction <maximumf>, %select_n3A_48, %reduce_max3A_49 [1] : vector<8x20000xf32> to vector<8xf32>
    %broadcast_in_dim3A_51 = vector.shape_cast %reduce_max3A_50 : vector<8xf32> to vector<8x1xf32>
    %eq3A_52 = vector.broadcast %broadcast_in_dim3A_51 : vector<8x1xf32> to vector<8x20000xf32>
    %eq3A_53 = arith.cmpf oeq, %select_n3A_48, %eq3A_52 : vector<8x20000xf32>
    %jit3A_54 = arith.constant 20000 : i32
    %broadcast_in_dim3A_55 = vector.broadcast %jit3A_54 : i32 to vector<8x20000xi32>
    %select_n3A_56 = arith.select %eq3A_53, %iota3A, %broadcast_in_dim3A_55 : vector<8x20000xi1>, vector<8x20000xi32>
    %reduce_min3A_57 = arith.constant dense<2147483647> : vector<8xi32>
    %reduce_min3A_58 = vector.multi_reduction <minsi>, %select_n3A_56, %reduce_min3A_57 [1] : vector<8x20000xi32> to vector<8xi32>
    %broadcast_in_dim3A_59 = vector.shape_cast %reduce_min3A_58 : vector<8xi32> to vector<8x1xi32>
    %eq3A_60 = vector.broadcast %broadcast_in_dim3A_59 : vector<8x1xi32> to vector<8x20000xi32>
    %eq3A_61 = arith.cmpi eq, %iota3A, %eq3A_60 : vector<8x20000xi32>
    %jit3A_62 = arith.constant 0xFF800000 : f32
    %broadcast_in_dim3A_63 = vector.broadcast %jit3A_62 : f32 to vector<8x20000xf32>
    %select_n3A_64 = arith.select %eq3A_61, %broadcast_in_dim3A_63, %select_n3A_48 : vector<8x20000xi1>, vector<8x20000xf32>
    %reduce_max3A_65 = arith.constant dense<0xFF800000> : vector<8xf32>
    %reduce_max3A_66 = vector.multi_reduction <maximumf>, %select_n3A_64, %reduce_max3A_65 [1] : vector<8x20000xf32> to vector<8xf32>
    %broadcast_in_dim3A_67 = vector.shape_cast %reduce_max3A_66 : vector<8xf32> to vector<8x1xf32>
    %eq3A_68 = vector.broadcast %broadcast_in_dim3A_67 : vector<8x1xf32> to vector<8x20000xf32>
    %eq3A_69 = arith.cmpf oeq, %select_n3A_64, %eq3A_68 : vector<8x20000xf32>
    %jit3A_70 = arith.constant 20000 : i32
    %broadcast_in_dim3A_71 = vector.broadcast %jit3A_70 : i32 to vector<8x20000xi32>
    %select_n3A_72 = arith.select %eq3A_69, %iota3A, %broadcast_in_dim3A_71 : vector<8x20000xi1>, vector<8x20000xi32>
    %reduce_min3A_73 = arith.constant dense<2147483647> : vector<8xi32>
    %reduce_min3A_74 = vector.multi_reduction <minsi>, %select_n3A_72, %reduce_min3A_73 [1] : vector<8x20000xi32> to vector<8xi32>
    %broadcast_in_dim3A_75 = vector.shape_cast %reduce_min3A_74 : vector<8xi32> to vector<8x1xi32>
    %sub3A = vector.broadcast %broadcast_in_dim3A_5 : vector<8x1xf32> to vector<8x20000xf32>
    %sub3A_76 = arith.subf %select_n3A, %sub3A : vector<8x20000xf32>
    %exp3A = math.exp %sub3A_76 : vector<8x20000xf32>
    %reduce_sum3A = arith.constant dense<0.000000e+00> : vector<8xf32>
    %reduce_sum3A_77 = vector.multi_reduction <add>, %exp3A, %reduce_sum3A [1] : vector<8x20000xf32> to vector<8xf32>
    %broadcast_in_dim3A_78 = vector.shape_cast %reduce_sum3A_77 : vector<8xf32> to vector<8x1xf32>
    %concatenate3A = tpu.concatenate %broadcast_in_dim3A_5, %broadcast_in_dim3A_19, %broadcast_in_dim3A_35, %broadcast_in_dim3A_51, %broadcast_in_dim3A_67 in 1 : vector<8x1xf32>, vector<8x1xf32>, vector<8x1xf32>, vector<8x1xf32>, vector<8x1xf32> -> vector<8x5xf32>
    %sub3A_79 = vector.broadcast %broadcast_in_dim3A_5 : vector<8x1xf32> to vector<8x5xf32>
    %sub3A_80 = arith.subf %concatenate3A, %sub3A_79 : vector<8x5xf32>
    %exp3A_81 = math.exp %sub3A_80 : vector<8x5xf32>
    %div3A = vector.broadcast %broadcast_in_dim3A_78 : vector<8x1xf32> to vector<8x5xf32>
    %div3A_82 = arith.divf %exp3A_81, %div3A : vector<8x5xf32>
    %swap3A = arith.constant 0 : index
    %swap3A_83 = arith.constant 0 : index
    %swap3A_84 = vector.load %arg2[%swap3A, %swap3A_83] : memref<8x5xf32, #tpu.memory_space<vmem>>, vector<8x5xf32>
    tpu.vector_store %arg2[%swap3A, %swap3A_83], %div3A_82 {strides = array<i32>} : memref<8x5xf32, #tpu.memory_space<vmem>>, vector<8x5xf32>,
    %concatenate3A_85 = tpu.concatenate %broadcast_in_dim3A_11, %broadcast_in_dim3A_27, %broadcast_in_dim3A_43, %broadcast_in_dim3A_59, %broadcast_in_dim3A_75 in 1 : vector<8x1xi32>, vector<8x1xi32>, vector<8x1xi32>, vector<8x1xi32>, vector<8x1xi32> -> vector<8x5xi32>
    %swap3A_86 = arith.constant 0 : index
    %swap3A_87 = arith.constant 0 : index
    %swap3A_88 = vector.load %arg3[%swap3A_86, %swap3A_87] : memref<8x5xi32, #tpu.memory_space<vmem>>, vector<8x5xi32>
    tpu.vector_store %arg3[%swap3A_86, %swap3A_87], %concatenate3A_85 {strides = array<i32>} : memref<8x5xi32, #tpu.memory_space<vmem>>, vector<8x5xi32>,
    return
  }
  func.func @transform_0(%arg0: i32) -> (i32, i32) {
    %c0_i32 = arith.constant 0 : i32
    %c0_i32_0 = arith.constant 0 : i32
    return %arg0, %c0_i32 : i32, i32
  }
  func.func @transform_1(%arg0: i32) -> (i32, i32) {
    %c0_i32 = arith.constant 0 : i32
    %c0_i32_0 = arith.constant 0 : i32
    return %arg0, %c0_i32 : i32, i32
  }
  func.func @transform_2(%arg0: i32) -> (i32, i32) {
    %c0_i32 = arith.constant 0 : i32
    %c0_i32_0 = arith.constant 0 : i32
    return %arg0, %c0_i32 : i32, i32
  }
}

module attributes {stable_mosaic.version = 14 : i64} {
  func.func @_compo_body(%arg0: memref<128x1024xf32, #tpu.memory_space<vmem>>, %arg1: memref<1024x1024xf32, #tpu.memory_space<vmem>>, %arg2: memref<128x1024xf32, #tpu.memory_space<vmem>>) attributes {dimension_semantics = [], scalar_prefetch = 0 : i64, scratch_operands = 0 : i64, tpu.core_type = #tpu.core_type<tc>} {
    %get3A = arith.constant 0 : index
    %get3A_0 = arith.constant 0 : index
    %get3A_1 = vector.load %arg0[%get3A, %get3A_0] : memref<128x1024xf32, #tpu.memory_space<vmem>>, vector<128x1024xf32>
    %logistic3A = arith.negf %get3A_1 : vector<128x1024xf32>
    %logistic3A_2 = math.exp %logistic3A : vector<128x1024xf32>
    %logistic3A_3 = arith.constant 1.000000e+00 : f32
    %logistic3A_4 = vector.broadcast %logistic3A_3 : f32 to vector<128x1024xf32>
    %logistic3A_5 = arith.addf %logistic3A_4, %logistic3A_2 : vector<128x1024xf32>
    %logistic3A_6 = arith.divf %logistic3A_4, %logistic3A_5 : vector<128x1024xf32>
    %gt3A = arith.constant 8.000000e-01 : f32
    %gt3A_7 = vector.broadcast %gt3A : f32 to vector<128x1024xf32>
    %gt3A_8 = arith.cmpf ogt, %logistic3A_6, %gt3A_7 : vector<128x1024xf32>
    %jit3A = arith.constant 0.000000e+00 : f32
    %broadcast_in_dim3A = vector.broadcast %jit3A : f32 to vector<128x1024xf32>
    %select_n3A = arith.select %gt3A_8, %logistic3A_6, %broadcast_in_dim3A : vector<128x1024xi1>, vector<128x1024xf32>
    %get3A_9 = arith.constant 0 : index
    %get3A_10 = arith.constant 0 : index
    %get3A_11 = vector.load %arg1[%get3A_9, %get3A_10] : memref<1024x1024xf32, #tpu.memory_space<vmem>>, vector<1024x1024xf32>
    %dot_general3A = arith.constant dense<0.000000e+00> : vector<128x1024xf32>
    %dot_general3A_12 = tpu.matmul %select_n3A, %get3A_11, %dot_general3A {dimension_numbers = #tpu.dot_dimension_numbers<[1], [0], [0], [1], [0, 0, 1, 1], [], []>, precision = #tpu.contract_precision<fp32>, transpose_lhs_hint = false} : vector<128x1024xf32>, vector<1024x1024xf32>, vector<128x1024xf32> -> vector<128x1024xf32>
    %mul3A = arith.constant 1.000000e-01 : f32
    %mul3A_13 = vector.broadcast %mul3A : f32 to vector<128x1024xf32>
    %mul3A_14 = arith.mulf %dot_general3A_12, %mul3A_13 : vector<128x1024xf32>
    %add3A = arith.addf %logistic3A_6, %mul3A_14 : vector<128x1024xf32>
    %swap3A = arith.constant 0 : index
    %swap3A_15 = arith.constant 0 : index
    %swap3A_16 = vector.load %arg2[%swap3A, %swap3A_15] : memref<128x1024xf32, #tpu.memory_space<vmem>>, vector<128x1024xf32>
    tpu.vector_store %arg2[%swap3A, %swap3A_15], %add3A {strides = array<i32>} : memref<128x1024xf32, #tpu.memory_space<vmem>>, vector<128x1024xf32>,
    return
  }
}

</mosaic_0001>

<sc_bundles>
// kernel: kernel.5.cloned.1.call-start
scs
__scs_entry_jumppad:
0x0: {  	(pc) =	sbr.rel $0x88, $3  }
0x1: {  	(tag) =	ssettag $0x0;
	lr =	simm.s32 $0x1  }
0x2: {  	[smem:$0x3F9D] =	sst lr;
	_ =	strace $0xD0000000  }
0x3: {  	_ = 	snop  }
0x4: {  	_ = 	snop  }
0x5: {  	_ = 	snop  }
0x6: {  	_ = 	snop  }
0x7: {  	_ = 	snop  }
__scs_overlays_trampoline_lowered:
0x8: {  	[smem:$0x3FAC] =	sst s0  }
0x9: {  	[smem:$0x3FAD] =	sst s1  }
0xa: {  	[smem:$0x3FAE] =	sst s2  }
0xb: {  	[smem:$0x3FAF] =	sst s3  }
0xc: {  	[smem:$0x3FB0] =	sst s4  }
0xd: {  	[smem:$0x3FB1] =	sst s5  }
0xe: {  	[smem:$0x3FB2] =	sst s6  }
0xf: {  	[smem:$0x3FB3] =	sst s7  }
0x10: {  	[smem:$0x3FB4] =	sst s8  }
0x11: {  	[smem:$0x3FB5] =	sst s9;
	s0 =	simm.s32 @!p0 $0x0  }
0x12: {  	s1 =	sld [smem:$0x3F9B];
	s0 =	simm.s32 @p0 $0x1  }
0x13: {  	[smem:$0x3FB6] =	sst s0;
	s0 =	simm.s32 @!p1 $0x0  }
0x14: {  	s2 =	sld [smem:$0x3F9A];
	s0 =	simm.s32 @p1 $0x1  }
0x15: {  	[smem:$0x3FB7] =	sst s0;
	s0 =	simm.s32 @!p2 $0x0  }
0x16: {  	s3 =	sld [smem:$0x3FDB];
	s0 =	simm.s32 @p2 $0x1  }
0x17: {  	s4 =	simm.s32 $0x1BF5;
	[smem:$0x3FB9] =	sst s0  }
0x18: {  	s0 =	sld [smem:$0x3F9C];
	_ =	swait.ge [sflag:s4], $0x0  }
0x19: {  	s7 =	sld [smem:$0x3F9D]  }
0x1a: {  	s8 =	sadd.s32 $0xFFFFE003, lr  }
0x1b: {  	s9 =	sadd.s32 $0xFFFFFEF7, lr;
	s5 =	simm.s32 $0xFFFFFFFF;
	p2 =	slt.u32 s8, $0xFFFFF086  }
0x1c: {  	p1 =	slt.u32 s9, $0xF7A;
	s5 =	simm.s32 @!p2 $0x0  }
0x1d: {  	s5 =	simm.s32 @p1 $0x1;
	p0 =	seq.s32 s7, s2  }
0x1e: {  	s7 =	smul.u32 @!p0 $0xF7A, s2;
	p2 =	seq.s32 @!p0 s5, $0x0  }
0x1f: {  	s9 =	smul.u32 $0xF7A, s1;
	s8 =	simm.s32 @!p0 $0x1BF5;
	p2 =	por !p2, p0  }
0x20: {  	[sflag:s8] =	ssyncset.s32 @!p0 $0xFFFFF086;
	s6 =	sadd.s32 @!p0 s3, s7;
	s7 =	simm.s32 @!p0 $0x108  }
0x21: {  	s3 =	sadd.s32 s3, s9;
	s6 =	sadd.s32 @!p0 $0x88, s6;
	s7 =	simm.s32 @p2 $0x1082  }
0x22: {  	[simem:s7], [sflag:s8] =	dma.local @!p0 [hbm:s6], $0xF7A  }
0x23: {  	s9 =	sor.u32 $0xD0000000, s2;
	s6 =	simm.s32 $0x108;
	_ =	swait.ge @!p0 [sflag:s8], $0x0  }
0x24: {  	s3 =	sadd.s32 $0x88, s3;
	s6 =	simm.s32 @!p1 $0x1082;
	[sflag:s4] =	ssyncset.s32 $0xFFFFF086  }
0x25: {  	[simem:s6], [sflag:s4] =	dma.local [hbm:s3], $0xF7A  }
0x26: {  	[smem:$0x3F9D] =	sst s1;
	(tag) =	ssettag s2;
	_ =	strace s9  }
0x27: {  	s1 =	sld [smem:$0x3FAD]  }
0x28: {  	s2 =	sld [smem:$0x3FAE]  }
0x29: {  	s4 =	sld [smem:$0x3FB0]  }
0x2a: {  	p0 =	seq.s32 s5, $0x0;
	s5 =	sld [smem:$0x3FB1]  }
0x2b: {  	s6 =	sld [smem:$0x3FB2]  }
0x2c: {  	s7 =	sld [smem:$0x3FB3]  }
0x2d: {  	s3 =	simm.s32 $0x108;
	s8 =	sld [smem:$0x3FB4]  }
0x2e: {  	s3 =	simm.s32 @!p0 $0x1082;
	s9 =	sld [smem:$0x3FB5]  }
0x2f: {  	lr =	sadd.s32 s0, s3;
	s0 =	sld [smem:$0x3FAC]  }
0x30: {  	s3 =	sld [smem:$0x3FAF]  }
0x31: {  	[smem:$0x3FB8] =	sst s10  }
0x32: {  	s10 =	sld [smem:$0x3FB6];
	_ =	sdelay $0x3  }
0x33: {  	p0 =	seq.s32 s10, $0x1;
	s10 =	sld [smem:$0x3FB8];
	_ =	sdelay $0x3  }
0x34: {  	[smem:$0x3FB8] =	sst s10  }
0x35: {  	s10 =	sld [smem:$0x3FB7];
	_ =	sdelay $0x3  }
0x36: {  	p1 =	seq.s32 s10, $0x1;
	s10 =	sld [smem:$0x3FB8];
	_ =	sdelay $0x3  }
0x37: {  	[smem:$0x3FB8] =	sst s10  }
0x38: {  	s10 =	sld [smem:$0x3FB9]  }
0x39: {  	_ = 	snop;
	(pc) =	sbr.ind lr, $3  }
0x3a: {  	_ = 	snop  }
0x3b: {  	_ = 	snop  }
0x3c: {  	p2 =	seq.s32 s10, $0x1;
	s10 =	sld [smem:$0x3FB8]  }
0x3d: {  	_ =	shalt  }
0x3e: {  	_ =	shalt  }
0x3f: {  	_ =	shalt  }
0x40: {  	_ =	shalt  }
0x41: {  	_ =	shalt  }
0x42: {  	_ =	shalt  }
0x43: {  	_ =	shalt  }
0x44: {  	_ =	shalt  }
0x45: {  	_ =	shalt  }
0x46: {  	_ =	shalt  }
0x47: {  	_ =	shalt  }
0x48: {  	_ =	shalt  }
0x49: {  	_ =	shalt  }
0x4a: {  	_ =	shalt  }
0x4b: {  	_ =	shalt  }
0x4c: {  	_ =	shalt  }
0x4d: {  	_ =	shalt  }
0x4e: {  	_ =	shalt  }
0x4f: {  	_ =	shalt  }
0x50: {  	_ =	shalt  }
0x51: {  	_ =	shalt  }
0x52: {  	_ =	shalt  }
0x53: {  	_ =	shalt  }
0x54: {  	_ =	shalt  }
0x55: {  	_ =	shalt  }
0x56: {  	_ =	shalt  }
0x57: {  	_ =	shalt  }
0x58: {  	_ =	shalt  }
0x59: {  	_ =	shalt  }
0x5a: {  	_ =	shalt  }
0x5b: {  	_ =	shalt  }
0x5c: {  	_ =	shalt  }
0x5d: {  	_ =	shalt  }
0x5e: {  	_ =	shalt  }
0x5f: {  	_ =	shalt  }
0x60: {  	_ =	shalt  }
0x61: {  	_ =	shalt  }
0x62: {  	_ =	shalt  }
0x63: {  	_ =	shalt  }
0x64: {  	_ =	shalt  }
0x65: {  	_ =	shalt  }
0x66: {  	_ =	shalt  }
0x67: {  	_ =	shalt  }
0x68: {  	_ =	shalt  }
0x69: {  	_ =	shalt  }
0x6a: {  	_ =	shalt  }
0x6b: {  	_ =	shalt  }
0x6c: {  	_ =	shalt  }
0x6d: {  	_ =	shalt  }
0x6e: {  	_ =	shalt  }
0x6f: {  	_ =	shalt  }
0x70: {  	_ =	shalt  }
0x71: {  	_ =	shalt  }
0x72: {  	_ =	shalt  }
0x73: {  	_ =	shalt  }
0x74: {  	_ =	shalt  }
0x75: {  	_ =	shalt  }
0x76: {  	_ =	shalt  }
0x77: {  	_ =	shalt  }
0x78: {  	_ =	shalt  }
0x79: {  	_ =	shalt  }
0x7a: {  	_ =	shalt  }
0x7b: {  	_ =	shalt  }
0x7c: {  	_ =	shalt  }
0x7d: {  	_ =	shalt  }
0x7e: {  	_ =	shalt  }
0x7f: {  	_ =	shalt  }
0x80: {  	_ =	shalt  }
0x81: {  	_ =	shalt  }
0x82: {  	_ =	shalt  }
0x83: {  	_ =	shalt  }
0x84: {  	_ =	shalt  }
0x85: {  	_ =	shalt  }
0x86: {  	_ =	shalt  }
0x87: {  	_ =	shalt  }
.Lfunc_end0:
.L_simem_size_0:
called_computation_lowered:
.L_overlay_start_0:
0x88: {  	s2 =	sld [smem:$0x3FD9]  }
0x89: {  	s3 =	sld [smem:$0x3FFE];
	_ =	sdelay $0x1  }
0x8a: {  	s1 =	srdreg.scid  }
0x8b: {  	s0 =	sand.u32 $0x1, s1  }
0x8c: {  	s16 =	sshll.u32 s0, $0xA;
	s2 =	sadd.s32 s3, s2  }
0x8d: {  	s2 =	sadd.s32 s2, s16  }
0x8e: {  	[smem:$0x3FC4] =	sst s2  }
0x8f: {  	_ = 	snop  }
0x90: {  	(tm) =	ssettm $0x1  }
0x91: {  	s17 =	sld [smem:$0x3FFB];
	_ =	sdelay $0x3  }
0x92: {  	_ =	strace s17  }
0x93: {  	s2 =	sld [smem:$0x3FFC];
	_ =	sdelay $0x3  }
0x94: {  	_ =	strace s2  }
0x95: {  	s2 =	sld [smem:$0x3FFD];
	_ =	sdelay $0x3  }
0x96: {  	_ =	strace s2  }
0x97: {  	_ =	strace $0x8FFFFFFF  }
0x98: {  	s18 =	sld [smem:$0x3FDB];
	_ =	sdelay $0x1  }
0x99: {  	s19 =	simm.s32 $_scs_section_size  }
0x9a: {  	s4 =	simm.s32 $_size__tile_overlayer_lowered;
	s5 =	simm.s32 $_tile_overlayer_lowered  }
0x9b: {  	s22 =	simm.s32 $0x1BFF;
	s21 =	sshll.u32 s5, $0x1;
	s2 =	sadd.s32 s19, s18  }
0x9c: {  	s6 =	simm.s32 $0x0;
	s20 =	sshll.u32 s4, $0x1;
	s4 =	sadd.s32 s21, s2  }
0x9d: {  	[timem:s6], [sflag:s22] =	dma.local [hbm:s4], s20  }
0x9e: {  	_ =	swait.ge [sflag:s22], s20  }
0x9f: {  	s3 =	ssub.s32 $0x0, s20;
	[sflag:s22] =	ssyncset.done $0x0  }
0xa0: {  	[sflag:s22] =	ssyncadd.s32 s3;
	_ =	sdelay $0x1  }
0xa1: {  	s23 =	simm.s32 $0x1B8B  }
0xa2: {  	_ =	swait.ge [sflag:s23], $0x1  }
0xa3: {  	[sflag:s23] =	ssyncset.done $0x0  }
0xa4: {  	s25 =	simm.s32 $0x1B8E;
	s24 =	sld [smem:$0x3FFE];
	[sflag:s23] =	ssyncadd.s32 $0xFFFFFFFF  }
0xa5: {  	s26 =	simm.s32 $execute0_lowered;
	[smem:$0x3FD2] =	sst s25  }
0xa6: {  	s4 =	sshll.u32 s26, $0x1;
	_ =	strace $0x80000046;
	[dreg:$0x1] =	wrdreg $0xFFFFFFFF  }
0xa7: {  	s28 =	simm.s32 $_size_execute0_lowered;
	s2 =	sadd.s32 s2, s4;
	[dreg:$0x0] =	wrdreg $0x0  }
0xa8: {  	s4 =	sshll.u32 s28, $0x1;
	[dreg:$0x2] =	wrdreg s2  }
0xa9: {  	[dreg:$0x3] =	wrdreg s4  }
0xaa: {  	[dreg:$0x4] =	wrdreg $0xC0  }
0xab: {  	_ =	task [dreg:s6], $0x5FFFF  }
0xac: {  	[dreg:$0x1] =	wrdreg $0xFFFFFFFF  }
0xad: {  	[dreg:$0x0] =	wrdreg $0x60  }
0xae: {  	[dreg:$0x2] =	wrdreg s24  }
0xaf: {  	[dreg:$0x3] =	wrdreg $0x9  }
0xb0: {  	_ =	task.clear_ibuf [dreg:s6], $0x4FFFF;
	_ =	strace $0x90000046  }
0xb1: {  	s29 =	simm.s32 $0x9;
	_ =	strace $0x80000048  }
0xb2: {  	_ =	swait.ge [sflag:s29], $0x1  }
0xb3: {  	[sflag:s29] =	ssyncadd.s32 $0xFFFFFFFF  }
0xb4: {  	_ =	strace $0x90000048  }
0xb5: {  	_ =	sfence  }
0xb6: {  	s30 =	sld [smem:$0x0];
	_ =	sdelay $0x2  }
0xb7: {  	s31 =	sshll.u32 s1, $0xD;
	s1 =	sshrl.u32 s1, $0x2  }
0xb8: {  	s3 =	sand.u32 $0x4000, s31;
	s1 =	sadd.s32 s1, s30  }
0xb9: {  	s0 =	sor.u32 s3, s0;
	s1 =	sshll.u32 s1, $0x11  }
0xba: {  	s0 =	sor.u32 s1, s0  }
0xbb: {  	s0 =	sadd.s32 $0x8F2B, s0  }
0xbc: {  	[sflag:s0] =	ssyncadd.remote.s32 $0x1  }
0xbd: {  	_ =	sfence.sel $0xFFFF  }
0xbe: {  	[dreg:$0x0] =	wrdreg $0xFFFFFFFF;
	(pc) =	sbr.abs _section_cstart, $3  }
0xbf: {  	[dreg:$0x1] =	wrdreg $0xFFFFFFFF  }
0xc0: {  	_ =	task.clear_ibuf [dreg:s6], $0x2FFFF;
	_ =	strace $0x9FFFFFFF  }
0xc1: {  	(tm) =	ssettm $0x7FFFFFFF  }
tec
execute0_lowered:
.L_overlay_start_1:
0x0: {  	(tag) =	ssettag $0x1  }
0x1: {  	s0 =	rddreg [dreg:$0x0]  }
0x2: {  	s1 =	simm.s32 $0x0;
	s2 =	srdreg.scid;
	s9 =	stileid.u32  }
0x3: {  	s11 =	simm.s32 $0x80;
	s12 =	simm.s32 $0x400;
	s13 =	simm.s32 $0x3  }
0x4: {  	s14 =	simm.s32 $0x1;
	s15 =	simm.s32 $0x5280;
	s16 =	simm.s32 $0x2  }
0x5: {  	s18 =	simm.s32 $0x13E80;
	[smem:$0x7FF] =	sst s1;
	s4 =	sand.u32 $0x1, s2  }
.Ltmp0:
0x6: {  	s2 =	sadd.s32 $0x274600, s0;
	s7 =	ssub.s32 $0x2, s4;
	(pc) =	sbr.rel .LBB2_1-.Ltmp0, $4  }
0x7: {  	s3 =	sadd.s32 $0x600, s0;
	s5 =	sadd.s32 $0x278600, s0;
	s31 =	sshrl.u32 s7, $0x1  }
0x8: {  	s6 =	sadd.s32 $0x278E00, s0;
	s8 =	sshll.u32 s9, $0xD;
	s0 =	ssub.s32 s7, s31  }
0x9: {  	s9 =	sshll.u32 s9, $0xA;
	_ =	strace $0x80000047;
	s0 =	smax.u32 s0, $0x1  }
0xa: {  	v0 =	vlaneseq.u32;
	v1 =	vimm.s32 $0x0;
	vm0 =	vmmov $0x1f;
	s7 =	sshll.u32 s4, $0x9;
	s4 =	simm.s32 $0x0;
	[dreg:$0x2] =	wrdreg s0  }
.LBB2_24:
0xb: {  	s4 =	rddreg [dreg:$0x3]  }
0xc: {  	s0 =	rddreg [dreg:$0x2];
	s4 =	sadd.s32 $0x1, s4  }
0xd: {  	p0 =	sne.s32 s4, s0  }
.Ltmp1:
0xe: {  	_ = 	snop;
	(pc) =	sbr.rel @!p0 .LBB2_25-.Ltmp1, $1  }
0xf: {  	_ =	sdelay $0x3  }
.LBB2_1:
.Ltmp2:
0x10: {  	(pc) =	sbr.rel .LBB2_2-.Ltmp2, $2  }
0x11: {  	_ =	sdelay $0x2  }
0x12: {  	[dreg:$0x3] =	wrdreg s4;
	s20 =	simm.s32 $0x0  }
.LBB2_15:
0x13: {  	s23 =	sadd.s32 $0x1, s23;
	s0 =	simm.s32 $0x0  }
.LBB2_23:
0x14: {  	p0 =	seq.s32 s0, $0x0;
	s4 =	simm.s32 $0xEF80  }
0x15: {  	s4 =	simm.s32 @!p0 $0xA100  }
0x16: {  	v2 =	vld [tilespmem:s4+$0x0]  }
0x17: {  	s0 =	smov.u32 @p0 s25;
	s4 =	simm.s32 $0x1  }
0x18: {  	v3 =	vmov s0;
	s4 =	simm.s32 @!p0 $0x0  }
0x19: {  	vm1 =	vgt.s32 v3, v0;
	s28 =	ssub.s32 s23, s4  }
0x1a: {  	s29 =	smov.u32 @p0 s24;
	vm1 =	vmand vm1, vm0;
	p0 =	seq.s32 s28, $0x1  }
0x1b: {  	s30 =	sadd.s32 s9, s21;
	s29 =	smov.u32 @p0 s22;
	v2 =	vnsel vm1, $0xFFFFFFFF, v2  }
0x1c: {  	s0 =	sshrl.u32 s30, $0x3;
	[tilespmem:$0x13E00] =	vst v2;
	v2 =	vmov s29  }
0x1d: {  	s10 =	simm.s32 $0x13E00;
	s31 =	sadd.s32 s5, s0;
	[tilespmem:$0x13E80] =	vst v2  }
0x1e: {  	[hbm4b:s31+s1] =	stream.linear.scatter [tilespmem:s10], [sflag:$0x3], $0x80, $0x38;
	[tilespmem:$0x13F00] =	vst v63  }
0x1f: {  	s20 =	sadd.s32 $0x1, s20;
	_ =	swait.ge [sflag:s13], $0x80  }
0x20: {  	p0 =	sne.s32 s20, $0x4;
	[sflag:s13] =	ssyncset.done $0x0  }
.Ltmp3:
0x21: {  	s0 =	sadd.s32 s6, s0;
	[sflag:s13] =	ssyncadd.s32 $0xFFFFFF80;
	(pc) =	sbr.rel @!p0 .LBB2_24-.Ltmp3, $4  }
0x22: {  	[hbm4b:s0+s1] =	stream.linear.scatter [tilespmem:s18], [sflag:$0x3], $0x80, $0x38;
	[tilespmem:$0x13F00] =	vst v63  }
0x23: {  	_ =	swait.ge [sflag:s13], $0x80  }
0x24: {  	[sflag:s13] =	ssyncset.done $0x0  }
0x25: {  	[sflag:s13] =	ssyncadd.s32 $0xFFFFFF80  }
.LBB2_2:
0x26: {  	s0 =	sshll.u32 s20, $0x7  }
0x27: {  	s21 =	sadd.s32 s7, s0  }
0x28: {  	s0 =	sadd.s32 s8, s21  }
0x29: {  	s0 =	sshrl.u32 s0, $0x3  }
0x2a: {  	s4 =	simm.s32 $0x0;
	s0 =	sadd.s32 s2, s0  }
0x2b: {  	[tilespmem:s4], [sflag:$0x3] =	stream.strided.gather [hbm4b:s0+s11], $0x400, s12, s11, $0x38;
	[tilespmem:$0x13F00] =	vst v63  }
0x2c: {  	_ =	swait.ge [sflag:s13], $0x400  }
0x2d: {  	[sflag:s13] =	ssyncset.done $0x0  }
0x2e: {  	[sflag:s13] =	ssyncadd.s32 $0xFFFFFC00  }
0x2f: {  	v2 =	vimm.f32 $-Inf;
	v5 =	vimm.s32 $0x0;
	s10 =	simm.s32 $0x10;
	v3 =	vimm.s32 $0x0;
	s0 =	simm.s32 $0x0;
	v4 =	vld [tilespmem:s4+$0x0]  }
.LBB2_3:
0x30: {  	p0 =	sne.s32 s10, $0x3F0;
	_ =	sdelay $0x2  }
.Ltmp4:
0x31: {  	(pc) =	sbr.rel @p0 .LBB2_3-.Ltmp4, $4  }
0x32: {  	v6 =	vor.u32 s4, v0;
	s4 =	smov.u32 s10;
	vm1 =	vgt.f32 v4, v2;
	vm2 =	vgt.f32 v4, $8.000000110e-01  }
0x33: {  	v2 =	vsel vm1, v4, v2;
	v7 =	vsel vm2, $0x1, v1;
	v4 =	vnsel vm2, $0xFF800000, v4  }
0x34: {  	v5 =	vsel vm1, v6, v5;
	v3 =	vadd.s32 v7, v3;
	[tilespmem:s0+$0x0] =	vst v4;
	s0 =	sadd.s32 $0x10, s0  }
0x35: {  	s10 =	sadd.s32 $0x10, s10;
	v4 =	vld [tilespmem:s0+$0x0]  }
0x36: {  	_ =	sdelay $0x3  }
0x37: {  	vm1 =	vgt.f32 v4, v2  }
0x38: {  	v6 =	vsel vm1, v4, v2  }
0x39: {  	(xrf0) =	vmax.scan.msk.f32 $0xffff, v6;
	_ =	sdelay $0x5  }
0x3a: {  	v2, _, _ =	vpop (xrf0)  }
0x3b: {  	v7 =	vor.u32 s4, v0;
	v8 =	vbroadcast v2, $0xF  }
0x3c: {  	v5 =	vsel vm1, v7, v5  }
0x3d: {  	v5 =	vxor.u32 $0x80000000, v5;
	vm1 =	veq.f32 v6, v8  }
0x3e: {  	v5 =	vnsel vm1, $0x80000400, v5  }
0x3f: {  	(xrf0) =	vmin.scan.msk.u32 $0xffff, v5;
	_ =	sdelay $0x5  }
0x40: {  	v5, _, _ =	vpop (xrf0)  }
0x41: {  	(v2sf) =	vpush v5, $0xF;
	_ =	sdelay $0xe  }
0x42: {  	s25 =	spop (v2sf)  }
0x43: {  	s10 =	sxor.u32 $0x80000000, s25  }
0x44: {  	s19 =	sshra.s32 s10, $0x1F  }
0x45: {  	s19 =	sshrl.u32 s19, $0x1C  }
0x46: {  	s19 =	sadd.s32 s19, s10  }
0x47: {  	p1 =	sgt.s32 s25, $0xFFFFFFFF;
	p0 =	slt.s32 s10, $0x1;
	s22 =	sand.u32 $0xFFFFFFF0, s19  }
0x48: {  	p0 =	por p1, p0;
	p2 =	sne.s32 s10, s22  }
0x49: {  	p0 =	por !p0, !p2  }
0x4a: {  	s10 =	simm.s32 $0x1;
	p0 =	por !p0, !p0  }
0x4b: {  	s19 =	sshrl.u32 s19, $0x4;
	s10 =	simm.s32 @!p0 $0x0  }
0x4c: {  	vm1 =	vgt.f32 v4, $8.000000110e-01;
	s10 =	ssub.s32 s19, s10  }
0x4d: {  	v4 =	vnsel vm1, $0xFF800000, v4;
	s10 =	sshll.u32 s10, $0x6  }
0x4e: {  	[tilespmem:s0+$0x0] =	vst v4;
	s26 =	sshra.s32 s10, $0x2  }
0x4f: {  	v4 =	vld [tilespmem:s26+$0x0]  }
0x50: {  	s28 =	sshrl.u32 s25, $0x3  }
0x51: {  	s29 =	sand.u32 $0xF, s25;
	s4 =	sshll.u32 s25, $0x7;
	s10 =	smul.u32 $0x27400, s28  }
0x52: {  	v5 =	vmov s29;
	s4 =	sand.u32 $0x380, s4  }
0x53: {  	vm2 =	veq.s32 v5, v0;
	s4 =	sor.u32 s4, s10  }
0x54: {  	s4 =	sshrl.u32 s4, $0x3;
	v4 =	vsel vm2, $0xFF800000, v4  }
0x55: {  	s31 =	simm.s32 $0x0;
	s30 =	sadd.s32 s3, s4;
	[tilespmem:s26+$0x0] =	vst v4  }
0x56: {  	[tilespmem:s12], [sflag:$0x1] =	stream.strided.gather [hbm4b:s30+s11], $0x4E80, s12, s11, $0x38;
	[tilespmem:$0x13F00] =	vst v63  }
0x57: {  	v4 =	vld [tilespmem:s31+$0x0];
	_ =	sdelay $0x3  }
0x58: {  	v7 =	vor.u32 s31, v0;
	v6 =	vimm.f32 $-Inf;
	v5 =	vsel vm1, $0x1, v1  }
0x59: {  	s0 =	simm.s32 $0x10;
	v3 =	vadd.s32 v5, v3;
	v5 =	vimm.s32 $0x0;
	s4 =	simm.s32 $0x10;
	vm1 =	vgt.f32 v4, v6  }
.LBB2_5:
0x5a: {  	p0 =	sne.s32 s0, $0x3F0;
	v6 =	vsel vm1, v4, v6;
	v4 =	vld [tilespmem:s4+$0x0];
	v5 =	vsel vm1, v7, v5;
	s10 =	smov.u32 s0;
	s0 =	sadd.s32 $0x10, s0  }
.Ltmp5:
0x5b: {  	(pc) =	sbr.rel @p0 .LBB2_5-.Ltmp5, $2  }
0x5c: {  	_ =	sdelay $0x2  }
0x5d: {  	s4 =	sadd.s32 $0x10, s4;
	v7 =	vor.u32 s10, v0;
	vm1 =	vgt.f32 v4, v6  }
0x5e: {  	v6 =	vsel vm1, v4, v6  }
0x5f: {  	(xrf0) =	vmax.scan.msk.f32 $0xffff, v6;
	_ =	sdelay $0x5  }
0x60: {  	v4, _, _ =	vpop (xrf0)  }
0x61: {  	v8 =	vbroadcast v4, $0xF  }
0x62: {  	v5 =	vsel vm1, v7, v5  }
0x63: {  	v5 =	vxor.u32 $0x80000000, v5;
	vm1 =	veq.f32 v6, v8  }
0x64: {  	v5 =	vnsel vm1, $0x80000400, v5  }
0x65: {  	(xrf0) =	vmin.scan.msk.u32 $0xffff, v5;
	_ =	sdelay $0x5  }
0x66: {  	v5, _, _ =	vpop (xrf0)  }
0x67: {  	(v2sf) =	vpush v5, $0xF;
	_ =	sdelay $0xe  }
0x68: {  	s0 =	spop (v2sf)  }
0x69: {  	s4 =	sxor.u32 $0x80000000, s0  }
0x6a: {  	s10 =	sshra.s32 s4, $0x1F  }
0x6b: {  	s10 =	sshrl.u32 s10, $0x1C  }
0x6c: {  	s10 =	sadd.s32 s10, s4  }
0x6d: {  	p1 =	sgt.s32 s0, $0xFFFFFFFF;
	p0 =	slt.s32 s4, $0x1;
	s19 =	sand.u32 $0xFFFFFFF0, s10  }
0x6e: {  	p0 =	por p1, p0;
	p6 =	sne.s32 s4, s19  }
0x6f: {  	p0 =	por !p0, !p6  }
0x70: {  	s4 =	simm.s32 $0x1;
	p0 =	por !p0, !p0  }
0x71: {  	s10 =	sshrl.u32 s10, $0x4;
	s4 =	simm.s32 @!p0 $0x0  }
0x72: {  	s4 =	ssub.s32 s10, s4  }
0x73: {  	s4 =	sshll.u32 s4, $0x6  }
0x74: {  	s4 =	sshra.s32 s4, $0x2  }
0x75: {  	v5 =	vld [tilespmem:s4+$0x0]  }
0x76: {  	s29 =	sshrl.u32 s0, $0x3  }
0x77: {  	s30 =	sand.u32 $0xF, s0;
	s0 =	sshll.u32 s0, $0x7;
	s10 =	smul.u32 $0x27400, s29  }
0x78: {  	v6 =	vmov s30;
	s0 =	sand.u32 $0x380, s0  }
0x79: {  	vm1 =	veq.s32 v6, v0;
	s0 =	sor.u32 s0, s10  }
0x7a: {  	s0 =	sshrl.u32 s0, $0x3;
	v5 =	vsel vm1, $0xFF800000, v5  }
0x7b: {  	s31 =	simm.s32 $0x400;
	s0 =	sadd.s32 s3, s0;
	[tilespmem:s4+$0x0] =	vst v5  }
0x7c: {  	[tilespmem:s15], [sflag:$0x2] =	stream.strided.gather [hbm4b:s0+s11], $0x4E80, s31, s11, $0x38;
	[tilespmem:$0x13F00] =	vst v63  }
0x7d: {  	_ =	swait.ge [sflag:s14], $0x4E80  }
0x7e: {  	[sflag:s14] =	ssyncset.done $0x0  }
0x7f: {  	[sflag:s14] =	ssyncadd.s32 $0xFFFFB180  }
0x80: {  	v5 =	vld [tilespmem:s31+$0x0];
	_ =	sdelay $0x4  }
0x81: {  	vm1 =	veq.s32 v5, $0x1  }
0x82: {  	v5 =	vmpcnt.ones.xlane vm1;
	_ =	sdelay $0x1  }
0x83: {  	v5 =	vxor.u32 $0x80000000, v5  }
0x84: {  	(xrf0) =	vmax.scan.msk.u32 $0xffff, v5;
	_ =	sdelay $0x5  }
0x85: {  	s0 =	simm.s32 $0x0;
	v6, _, _ =	vpop (xrf0)  }
0x86: {  	v5 =	vor.u32 s0, v0;
	(v2sf) =	vpush v6, $0xF  }
0x87: {  	s10 =	simm.s32 $0x410;
	[tilespmem:s0+$0xA100] =	vst.msk vm1, v5  }
0x88: {  	s22 =	simm.s32 $0x20;
	s4 =	simm.s32 $0x10;
	v5 =	vld [tilespmem:s10+$0x0]  }
.LBB2_7:
0x89: {  	p0 =	seq.s32 s22, $0x4E10;
	_ =	sdelay $0x3  }
0x8a: {  	vm1 =	veq.s32 v5, $0x1  }
0x8b: {  	v5 =	vmpcnt.ones.xlane vm1;
	_ =	sdelay $0x1  }
0x8c: {  	v5 =	vxor.u32 $0x80000000, v5  }
0x8d: {  	(xrf0) =	vmax.scan.msk.u32 $0xffff, v5;
	_ =	sdelay $0x3  }
0x8e: {  	s19 =	spop (v2sf)  }
.Ltmp6:
0x8f: {  	s0 =	sadd.s32 s19, s0;
	(pc) =	sbr.rel @!p0 .LBB2_7-.Ltmp6, $4  }
0x90: {  	v5 =	vor.u32 s4, v0;
	s4 =	smov.u32 s22;
	v6, _, _ =	vpop (xrf0);
	s0 =	sadd.s32 $0x80000000, s0  }
0x91: {  	[tilespmem:s0+$0xA100] =	vst.msk vm1, v5;
	(v2sf) =	vpush v6, $0xF  }
0x92: {  	s10 =	sadd.s32 $0x10, s10  }
0x93: {  	s22 =	sadd.s32 $0x10, s22;
	v5 =	vld [tilespmem:s10+$0x0]  }
0x94: {  	_ =	sdelay $0x3  }
0x95: {  	vm1 =	veq.s32 v5, $0x1  }
0x96: {  	v5 =	vmpcnt.ones.xlane vm1;
	_ =	sdelay $0x1  }
0x97: {  	v5 =	vxor.u32 $0x80000000, v5  }
0x98: {  	(xrf0) =	vmax.scan.msk.u32 $0xffff, v5;
	_ =	sdelay $0x5  }
0x99: {  	v5, _, _ =	vpop (xrf0)  }
0x9a: {  	(v2sf) =	vpush v5, $0xF;
	_ =	sdelay $0x7  }
0x9b: {  	(xrf0) =	vadd.scan.msk.s32 $0xffff, v3;
	_ =	sdelay $0x5  }
0x9c: {  	s10 =	spop (v2sf);
	(v2sf) =	vpush v2, $0xF;
	v2, _, _ =	vpop (xrf0)  }
0x9d: {  	s30 =	spop (v2sf);
	(v2sf) =	vpush v2, $0xF;
	_ =	sdelay $0x7  }
0x9e: {  	(v2sf) =	vpush v4, $0xF;
	_ =	sdelay $0x4  }
0x9f: {  	s0 =	sadd.s32 s10, s0  }
0xa0: {  	s0 =	sadd.s32 $0x80000000, s0;
	s22 =	spop (v2sf)  }
0xa1: {  	v63 =	vor.u32 s4, v0;
	s31 =	sadd.s32 s30, s0;
	s26 =	spop (v2sf)  }
0xa2: {  	[tilespmem:s0+$0xA100] =	vst.msk vm1, v63;
	s0 =	sadd.s32 $0x80000000, s31;
	p0 =	slt.s32 s26, $0x2  }
0xa3: {  	p2 =	slt.s32 @!p0 s0, $0x2  }
0xa4: {  	p0 =	por p0, p2  }
.Ltmp7:
0xa5: {  	_ = 	snop;
	(pc) =	sbr.rel @p0 .LBB2_22-.Ltmp7, $4  }
0xa6: {  	_ = 	snop  }
0xa7: {  	p1 =	sgt.f32 s22, $8.000000110e-01  }
0xa8: {  	s29 =	smov.u32 s22  }
0xa9: {  	s29 =	simm.s32 @!p1 $0xFF800000;
	s28 =	spop (v2sf)  }
0xaa: {  	s23 =	simm.s32 $0x1;
	p0 =	por $0x1, $0x1  }
.LBB2_10:
.Ltmp8:
0xab: {  	(pc) =	sbr.rel @p0 .LBB2_14-.Ltmp8, $2  }
0xac: {  	_ =	sdelay $0x2  }
0xad: {  	s24 =	smov.u32 s29;
	s25 =	smov.u32 s0;
	s29 =	smov.u32 s28  }
0xae: {  	s4 =	simm.s32 $0x0  }
0xaf: {  	v3 =	vld [tilespmem:s4+$0x0];
	_ =	sdelay $0x3  }
0xb0: {  	v4 =	vimm.f32 $-Inf  }
0xb1: {  	v2 =	vimm.s32 $0x0;
	s0 =	simm.s32 $0x10;
	v5 =	vor.u32 s4, v0;
	s4 =	simm.s32 $0x10;
	vm1 =	vgt.f32 v3, v4  }
.LBB2_12:
0xb2: {  	p0 =	sne.s32 s0, $0x3F0;
	v4 =	vsel vm1, v3, v4;
	v3 =	vld [tilespmem:s4+$0x0];
	v2 =	vsel vm1, v5, v2;
	s10 =	smov.u32 s0;
	s0 =	sadd.s32 $0x10, s0  }
.Ltmp9:
0xb3: {  	(pc) =	sbr.rel @p0 .LBB2_12-.Ltmp9, $2  }
0xb4: {  	_ =	sdelay $0x2  }
0xb5: {  	s4 =	sadd.s32 $0x10, s4;
	v5 =	vor.u32 s10, v0;
	vm1 =	vgt.f32 v3, v4  }
0xb6: {  	v3 =	vsel vm1, v3, v4  }
0xb7: {  	(xrf0) =	vmax.scan.msk.f32 $0xffff, v3;
	_ =	sdelay $0x5  }
0xb8: {  	v63, _, _ =	vpop (xrf0)  }
0xb9: {  	v6 =	vbroadcast v63, $0xF  }
0xba: {  	v2 =	vsel vm1, v5, v2  }
0xbb: {  	v2 =	vxor.u32 $0x80000000, v2;
	vm1 =	veq.f32 v3, v6  }
0xbc: {  	v2 =	vnsel vm1, $0x80000400, v2  }
0xbd: {  	(xrf0) =	vmin.scan.msk.u32 $0xffff, v2;
	_ =	sdelay $0x5  }
0xbe: {  	v2, _, _ =	vpop (xrf0)  }
0xbf: {  	(v2sf) =	vpush v2, $0xF;
	_ =	sdelay $0xe  }
0xc0: {  	s0 =	spop (v2sf)  }
0xc1: {  	s4 =	sxor.u32 $0x80000000, s0  }
0xc2: {  	s10 =	sshra.s32 s4, $0x1F  }
0xc3: {  	s10 =	sshrl.u32 s10, $0x1C  }
0xc4: {  	(v2sf) =	vpush v63, $0xF;
	s10 =	sadd.s32 s10, s4  }
0xc5: {  	p1 =	sgt.s32 s0, $0xFFFFFFFF;
	p0 =	slt.s32 s4, $0x1;
	s19 =	sand.u32 $0xFFFFFFF0, s10  }
0xc6: {  	p0 =	por p1, p0;
	p6 =	sne.s32 s4, s19  }
0xc7: {  	p0 =	por !p0, !p6  }
0xc8: {  	s4 =	simm.s32 $0x1;
	p0 =	por !p0, !p0  }
0xc9: {  	s10 =	sshrl.u32 s10, $0x4;
	s4 =	simm.s32 @!p0 $0x0  }
0xca: {  	s4 =	ssub.s32 s10, s4  }
0xcb: {  	s4 =	sshll.u32 s4, $0x6  }
0xcc: {  	s4 =	sshra.s32 s4, $0x2  }
0xcd: {  	v2 =	vld [tilespmem:s4+$0x0]  }
0xce: {  	s30 =	sshrl.u32 s0, $0x3  }
0xcf: {  	s31 =	sand.u32 $0xF, s0;
	s0 =	sshll.u32 s0, $0x7;
	s10 =	smul.u32 $0x27400, s30  }
0xd0: {  	v3 =	vmov s31;
	s0 =	sand.u32 $0x380, s0  }
0xd1: {  	vm1 =	veq.s32 v3, v0;
	s0 =	sor.u32 s0, s10  }
0xd2: {  	s0 =	sshrl.u32 s0, $0x3;
	v2 =	vsel vm1, $0xFF800000, v2  }
0xd3: {  	s0 =	sadd.s32 s3, s0;
	s29 =	spop (v2sf);
	[tilespmem:s4+$0x0] =	vst v2  }
0xd4: {  	[tilespmem:s15], [sflag:$0x2] =	stream.strided.gather [hbm4b:s0+s11], $0x4E80, s12, s11, $0x38;
	[tilespmem:$0x13F00] =	vst v63  }
.LBB2_14:
0xd5: {  	s0 =	sadd.s32 $0xF, s25  }
0xd6: {  	s4 =	sand.u32 $0xF, s0  }
0xd7: {  	s31 =	sshra.s32 s0, $0x1F;
	p1 =	slt.s32 s0, $0x0;
	p0 =	sne.s32 s4, $0x0  }
0xd8: {  	s4 =	sshrl.u32 s31, $0x1C;
	p0 =	por !p1, !p0  }
0xd9: {  	s0 =	sadd.s32 s4, s0;
	s4 =	simm.s32 $0x1;
	p0 =	por !p0, !p0  }
0xda: {  	s0 =	sshra.s32 s0, $0x4;
	s4 =	simm.s32 @!p0 $0x0  }
0xdb: {  	s0 =	ssub.s32 s0, s4  }
0xdc: {  	p0 =	sgt.s32 s0, $0x0  }
.Ltmp10:
0xdd: {  	_ = 	snop;
	(pc) =	sbr.rel @!p0 .LBB2_15-.Ltmp10, $4  }
0xde: {  	_ = 	snop  }
0xdf: {  	_ =	swait.ge [sflag:s16], $0x4E80  }
0xe0: {  	[sflag:s16] =	ssyncset.done $0x0  }
0xe1: {  	[sflag:s16] =	ssyncadd.s32 $0xFFFFB180  }
0xe2: {  	s4 =	simm.s32 $0xA100  }
0xe3: {  	v4 =	vld [tilespmem:s4+$0x0];
	_ =	sdelay $0x1  }
0xe4: {  	s30 =	simm.s32 $0x0  }
0xe5: {  	v2 =	vmov s25;
	v3 =	vor.u32 s30, v0  }
0xe6: {  	vm1 =	vlt.s32 v3, v2  }
0xe7: {  	v3 =	vnsel vm1, $0x0, v4;
	_ =	sdelay $0x2  }
0xe8: {  	s31 =	simm.s32 $0xEF80  }
0xe9: {  	[tilespmem:s31+$0x0] =	vst v4  }
0xea: {  	v4 =	vld.idx.msk [tilespmem:v3+s15+$0x0], vm1;
	_ =	sdelay $0x3  }
0xeb: {  	p1 =	sne.s32 s0, $0x1  }
.Ltmp11:
0xec: {  	vm2 =	veq.s32 v4, $0x1;
	(pc) =	sbr.rel @!p1 .LBB2_17-.Ltmp11, $3  }
0xed: {  	vm1 =	vmand vm1, vm2  }
0xee: {  	v4 =	vmpcnt.ones.xlane vm1;
	_ =	sdelay $0x1  }
0xef: {  	s10 =	sadd.s32 $0xFFFFFFFF, s0;
	p0 =	por $0x0, $0x0;
	v4 =	vxor.u32 $0x80000000, v4  }
0xf0: {  	(xrf0) =	vmax.scan.msk.u32 $0xffff, v4;
	_ =	sdelay $0x2  }
0xf1: {  	[tilespmem:s30+$0xA100] =	vst.msk vm1, v3;
	s31 =	simm.s32 $0xA110  }
0xf2: {  	v4 =	vld [tilespmem:s31+$0x0];
	_ =	sdelay $0x1  }
0xf3: {  	s0 =	simm.s32 $0x10;
	v3, _, _ =	vpop (xrf0)  }
0xf4: {  	v5 =	vor.u32 s0, v0;
	(v2sf) =	vpush v3, $0xF  }
0xf5: {  	vm1 =	vlt.s32 v5, v2  }
0xf6: {  	v3 =	vnsel vm1, $0x0, v4;
	_ =	sdelay $0x2  }
0xf7: {  	s4 =	simm.s32 $0xEF90  }
0xf8: {  	[tilespmem:s4+$0x0] =	vst v4  }
0xf9: {  	v4 =	vld.idx.msk [tilespmem:v3+s15+$0x0], vm1;
	_ =	sdelay $0x3  }
0xfa: {  	p2 =	sne.s32 s10, $0x1  }
.Ltmp12:
0xfb: {  	vm2 =	veq.s32 v4, $0x1;
	(pc) =	sbr.rel @!p2 .LBB2_20-.Ltmp12, $4  }
0xfc: {  	vm1 =	vmand vm1, vm2  }
0xfd: {  	v4 =	vmpcnt.ones.xlane vm1  }
0xfe: {  	s19 =	spop (v2sf)  }
0xff: {  	s10 =	sadd.s32 $0xFFFFFFFF, s10;
	p1 =	por $0x1, $0x1;
	v4 =	vxor.u32 $0x80000000, v4;
	s19 =	sadd.s32 $0x0, s19  }
.LBB2_19:
0x100: {  	p2 =	sne.s32 s10, $0x1;
	s10 =	sadd.s32 $0xFFFFFFFF, s10;
	(xrf0) =	vmax.scan.msk.u32 $0xffff, v4;
	s19 =	sadd.s32 $0x80000000, s19  }
0x101: {  	[tilespmem:s19+$0xA100] =	vst.msk vm1, v3  }
0x102: {  	s31 =	sadd.s32 $0x10, s31  }
0x103: {  	v4 =	vld [tilespmem:s31+$0x0];
	_ =	sdelay $0x1  }
0x104: {  	s0 =	sadd.s32 $0x10, s0  }
0x105: {  	v3 =	vor.u32 s0, v0;
	v5, _, _ =	vpop (xrf0)  }
0x106: {  	vm1 =	vlt.s32 v3, v2;
	(v2sf) =	vpush v5, $0xF  }
0x107: {  	v3 =	vnsel vm1, $0x0, v4;
	_ =	sdelay $0x2  }
0x108: {  	s4 =	sadd.s32 $0x10, s4  }
0x109: {  	[tilespmem:s4+$0x0] =	vst v4  }
0x10a: {  	v4 =	vld.idx.msk [tilespmem:v3+s15+$0x0], vm1;
	_ =	sdelay $0x5  }
.Ltmp13:
0x10b: {  	vm2 =	veq.s32 v4, $0x1;
	(pc) =	sbr.rel @p2 .LBB2_19-.Ltmp13, $4  }
0x10c: {  	vm1 =	vmand vm1, vm2  }
0x10d: {  	v4 =	vmpcnt.ones.xlane vm1  }
0x10e: {  	s17 =	spop (v2sf)  }
0x10f: {  	v4 =	vxor.u32 $0x80000000, v4;
	s19 =	sadd.s32 s17, s19  }
.LBB2_20:
0x110: {  	(xrf0) =	vmax.scan.msk.u32 $0xffff, v4;
	_ =	sdelay $0x5  }
0x111: {  	v2, _, _ =	vpop (xrf0)  }
0x112: {  	(v2sf) =	vpush v2, $0xF;
	_ =	sdelay $0xd  }
0x113: {  	s0 =	sadd.s32 @p1 $0x80000000, s19  }
0x114: {  	s30 =	smov.u32 @p1 s0;
	s31 =	spop (v2sf)  }
0x115: {  	s23 =	sadd.s32 $0x1, s23;
	s0 =	sadd.s32 s31, s30  }
0x116: {  	p1 =	sge.s32 s23, s26;
	s0 =	sadd.s32 $0x80000000, s0  }
0x117: {  	p2 =	sgt.s32 @!p1 s0, $0x1  }
0x118: {  	p2 =	por p1, !p2  }
.Ltmp14:
0x119: {  	_ = 	snop;
	(pc) =	sbr.rel @!p2 .LBB2_10-.Ltmp14, $4  }
.Ltmp15:
0x11a: {  	_ = 	snop;
	(pc) =	sbr.rel @p2 .LBB2_21-.Ltmp15, $4  }
0x11b: {  	_ = 	snop  }
0x11c: {  	_ = 	snop  }
0x11d: {  	[tilespmem:s30+$0xA100] =	vst.msk vm1, v3  }
0x11e: {  	_ = 	snop  }
.LBB2_17:
.Ltmp16:
0x11f: {  	(pc) =	sbr.rel .LBB2_20-.Ltmp16, $2  }
0x120: {  	_ =	sdelay $0x2  }
0x121: {  	p1 =	por $0x0, $0x0  }
.LBB2_22:
.Ltmp17:
0x122: {  	(pc) =	sbr.rel .LBB2_23-.Ltmp17, $4  }
0x123: {  	_ = 	snop  }
0x124: {  	_ =	swait.ge [sflag:s16], $0x4E80  }
0x125: {  	s23 =	simm.s32 $0x1;
	[sflag:s16] =	ssyncset.done $0x0  }
0x126: {  	s24 =	smov.u32 s29;
	s25 =	smov.u32 s0;
	[sflag:s16] =	ssyncadd.s32 $0xFFFFB180  }
.LBB2_21:
.Ltmp18:
0x127: {  	(pc) =	sbr.rel .LBB2_23-.Ltmp18, $3  }
0x128: {  	_ =	sdelay $0x1  }
0x129: {  	s24 =	smov.u32 @p1 s24;
	s29 =	smov.u32 @p1 s29  }
0x12a: {  	s25 =	smov.u32 @p1 s25;
	s0 =	smov.u32 @p1 s0;
	s23 =	smov.u32 @p1 s23  }
.LBB2_25:
0x12b: {  	_ =	sfence.sel $0x180000  }
0x12c: {  	[bflag:$0x0] =	sbarrier.arrive $0xFFFF  }
0x12d: {  	_ =	strace $0x90000047  }
0x12e: {  	s0 =	stileid.u32;
	[bflag:$0x2] =	sbarrier.arrive $0xFFFF  }
0x12f: {  	p0 =	sne.s32 s0, $0x0;
	s0 =	rddreg [dreg:$0x1]  }
0x130: {  	s0 =	sadd.s32 @!p0 $0x100000, s0  }
0x131: {  	[sflag:s0] =	ssyncadd.tile.s32 @!p0 $0x1;
	_ =	shalt  }
.Lfunc_end2:
_tile_overlayer_lowered:
.L_overlay_start_2:
0x132: {  	(tag) =	ssettag $0x2  }
0x133: {  	s0 =	rddreg [dreg:$0x0];
	s2 =	stileid.u32  }
0x134: {  	s1 =	rddreg [dreg:$0x1];
	p0 =	sne.s32 s2, $0x0  }
0x135: {  	s3 =	rddreg [dreg:$0x2];
	[bflag:$0x3] =	sbarrier.arrive $0xFFFF;
	s2 =	simm.s32 @!p0 $0x1C03  }
0x136: {  	[timem:s3], [sflag:s2] =	dma.local @!p0 [hbm:s0], s1  }
0x137: {  	s0 =	simm.s32 @!p0 $0x3  }
0x138: {  	_ =	swait.ge @!p0 [sflag:s0], s1  }
0x139: {  	s1 =	ssub.s32 @!p0 $0x0, s1;
	[sflag:s0] =	ssyncset.done @!p0 $0x0  }
0x13a: {  	[sflag:s0] =	ssyncadd.s32 @!p0 s1  }
0x13b: {  	[bflag:$0x3] =	sbarrier.arrive $0xFFFF  }
0x13c: {  	_ =	shalt  }

</sc_bundles>
